<compile_context>
chip_gen: v7x
topology: tpu7x:2x2x1
jax: 0.10.2.dev20260603
libtpu: 0.0.44.dev20260713+nightly
codegen_flags: <defaults>
</compile_context>

<pallas_src>
import functools

import jax
import jax.numpy as jnp
from jax import lax
from jax.experimental import pallas as pl
from jax.experimental.pallas import tpu as pltpu
from jax.experimental.pallas import tpu_sc as plsc

B = 16
G = 64
S = 16
D = 128
N_GENES = 20000

NC = 2
NS = 16
NW = NC * NS
LANES = 16

SC_B = 4
TC_B = B - SC_B

GROUPS_PER_W = (SC_B * G) // NW
ROWS_PER_W = GROUPS_PER_W * S
PARTS = G // GROUPS_PER_W


def _sc_body(x_hbm, out_hbm, in_v, out_v):
    wid = lax.axis_index("s") * NC + lax.axis_index("c")
    b = wid // PARTS
    part = wid % PARTS
    in_base = b * N_GENES + part * ROWS_PER_W
    out_base = wid * GROUPS_PER_W

    pltpu.sync_copy(x_hbm.at[pl.ds(in_base, ROWS_PER_W), :], in_v)

    @plsc.parallel_loop(0, GROUPS_PER_W, unroll=2)
    def gbody(g):
        row0 = g * S
        for dc in range(D // LANES):
            sl = pl.ds(dc * LANES, LANES)
            vals = [in_v[row0 + s, sl] for s in range(S)]
            while len(vals) > 1:
                vals = [vals[i] + vals[i + 1] for i in range(0, len(vals), 2)]
            out_v[g, sl] = vals[0] * (1.0 / S)

    pltpu.sync_copy(out_v, out_hbm.at[pl.ds(out_base, GROUPS_PER_W), :])


_sc_kernel = functools.partial(
    pl.kernel,
    out_type=jax.ShapeDtypeStruct((SC_B * G, D), jnp.float32),
    mesh=plsc.VectorSubcoreMesh(core_axis_name="c", subcore_axis_name="s"),
    scratch_types=[
        pltpu.VMEM((ROWS_PER_W, D), jnp.float32),
        pltpu.VMEM((GROUPS_PER_W, D), jnp.float32),
    ],
)(_sc_body)


TC_BLK = 4


def _tc_body(x_ref, o_ref):
    x = x_ref[...]
    o_ref[...] = x.reshape(TC_BLK, G, S, D).sum(axis=2) * (1.0 / S)


_tc_kernel = pl.pallas_call(
    _tc_body,
    grid=(TC_B // TC_BLK,),
    in_specs=[pl.BlockSpec((TC_BLK, G * S, D),
                           lambda i: (SC_B // TC_BLK + i, 0, 0))],
    out_specs=pl.BlockSpec((TC_BLK, G, D),
                           lambda i: (SC_B // TC_BLK + i, 0, 0)),
    out_shape=jax.ShapeDtypeStruct((B, G, D), jnp.float32),
)


@jax.jit
def kernel(gene_output):
    flat = gene_output.reshape(B * N_GENES, D)
    sc_out = _sc_kernel(flat).reshape(SC_B, G, D)
    out_full = _tc_kernel(gene_output)
    return lax.dynamic_update_slice(out_full, sc_out, (0, 0, 0))

# --- scband reference (transcript-rebuilt; emitter-appended) ---
"""Pipeline reference for scband-gene-set-pooling-aggregator-72782515798445 (READ-ONLY COPY).

The authoritative reference and input builder live on the scoring server;
editing this copy changes nothing except your own understanding.
"""

import jax, jax.numpy as jnp
import numpy as np

# genesets_indices from init_kwargs: 64 genesets x 16 genes, contiguous blocks 16i..16i+15
GENESETS = np.arange(1024, dtype=np.int64).reshape(64, 16)
NUM_GENESETS = GENESETS.shape[0]
SET_SIZE = GENESETS.shape[1]


def setup_inputs(seed: int = 0) -> dict:
    key = jax.random.key(seed)
    gene_output = jax.random.normal(key, (16, 20000, 128), dtype=jnp.float32)
    return {"gene_output": gene_output}


def reference(gene_output):
    # Faithful translation of the torch loop:
    #   for i, geneset in enumerate(genesets_indices):
    #       aggregated[:, i, :] = mean(gene_output[:, geneset, :], dim=1)
    # All genesets have equal size (16), so the loop vectorizes exactly:
    idx = jnp.asarray(GENESETS)  # [G, S] int64 indices into gene axis
    B = gene_output.shape[0]
    D = gene_output.shape[2]
    sel = jnp.take(gene_output, idx.reshape(-1), axis=1)  # gather -> [B, G*S, D]
    sel = sel.reshape(B, NUM_GENESETS, SET_SIZE, D)
    aggregated = jnp.mean(sel, axis=2)  # 'mean' pooling_type -> [B, G, D]
    return aggregated

if __name__ == "__main__":
    import jax
    _d = setup_inputs()
    print(jax.jit(kernel)(*tuple(_d.values())))

</pallas_src>

<mosaic_0001>
#map = affine_map<(d0, d1) -> (0, 0)>
module attributes {stable_mosaic.version = 14 : i64} {
  func.func @_sc_body(%arg0: i32, %arg1: i32, %arg2: memref<320000x128xf32, #tpu.memory_space<hbm>>, %arg3: memref<256x128xf32, #tpu.memory_space<hbm>>, %arg4: memref<128x128xf32, #tpu.memory_space<vmem>>, %arg5: memref<8x128xf32, #tpu.memory_space<vmem>>) attributes {dimension_semantics = [#tpu.dimension_semantics<core_parallel>, #tpu.dimension_semantics<subcore_parallel>], iteration_bounds = array<i64: 2, 16>, scalar_prefetch = 0 : i64, scratch_operands = 2 : i64, tpu.core_type = #tpu.core_type<sc_vector_subcore>, window_params = [{transform_indices = #map}, {transform_indices = #map}]} {
    %mul3A = arith.constant 2 : i32
    %mul3A_0 = arith.muli %arg1, %mul3A : i32
    %add3A = arith.addi %mul3A_0, %arg0 : i32
    %jit3A = arith.constant 8 : i32
    %div3A = arith.divsi %add3A, %jit3A : i32
    %sign3A = arith.constant 0 : i32
    %sign3A_1 = arith.cmpi sgt, %add3A, %sign3A : i32
    %sign3A_2 = arith.extui %sign3A_1 : i1 to i32
    %sign3A_3 = arith.constant 0 : i32
    %sign3A_4 = arith.cmpi slt, %add3A, %sign3A_3 : i32
    %sign3A_5 = arith.extui %sign3A_4 : i1 to i32
    %sign3A_6 = arith.subi %sign3A_2, %sign3A_5 : i32
    %sign3A_7 = arith.constant 0 : i32
    %sign3A_8 = arith.cmpi sgt, %jit3A, %sign3A_7 : i32
    %sign3A_9 = arith.extui %sign3A_8 : i1 to i32
    %sign3A_10 = arith.constant 0 : i32
    %sign3A_11 = arith.cmpi slt, %jit3A, %sign3A_10 : i32
    %sign3A_12 = arith.extui %sign3A_11 : i1 to i32
    %sign3A_13 = arith.subi %sign3A_9, %sign3A_12 : i32
    %ne3A = arith.cmpi ne, %sign3A_6, %sign3A_13 : i32
    %rem3A = arith.remsi %add3A, %jit3A : i32
    %ne3A_14 = arith.constant 0 : i32
    %ne3A_15 = arith.cmpi ne, %rem3A, %ne3A_14 : i32
    %and3A = arith.andi %ne3A, %ne3A_15 : i1
    %sub3A = arith.constant 1 : i32
    %sub3A_16 = arith.subi %div3A, %sub3A : i32
    %select_n3A = arith.select %and3A, %sub3A_16, %div3A : i32
    %jit3A_17 = arith.constant 8 : i32
    %eq3A = arith.constant 0 : i32
    %eq3A_18 = arith.cmpi eq, %jit3A_17, %eq3A : i32
    %jit3A_19 = arith.constant 1 : i32
    %select_n3A_20 = arith.select %eq3A_18, %jit3A_19, %jit3A_17 : i32
    %rem3A_21 = arith.remsi %add3A, %select_n3A_20 : i32
    %ne3A_22 = arith.constant 0 : i32
    %ne3A_23 = arith.cmpi ne, %rem3A_21, %ne3A_22 : i32
    %lt3A = arith.constant 0 : i32
    %lt3A_24 = arith.cmpi slt, %rem3A_21, %lt3A : i32
    %lt3A_25 = arith.constant 0 : i32
    %lt3A_26 = arith.cmpi slt, %select_n3A_20, %lt3A_25 : i32
    %ne3A_27 = arith.xori %lt3A_24, %lt3A_26 : i1
    %and3A_28 = arith.andi %ne3A_27, %ne3A_23 : i1
    %add3A_29 = arith.addi %rem3A_21, %select_n3A_20 : i32
    %select_n3A_30 = arith.select %and3A_28, %add3A_29, %rem3A_21 : i32
    %mul3A_31 = arith.constant 20000 : i32
    %mul3A_32 = arith.muli %select_n3A, %mul3A_31 : i32
    %mul3A_33 = arith.constant 128 : i32
    %mul3A_34 = arith.muli %select_n3A_30, %mul3A_33 : i32
    %add3A_35 = arith.addi %mul3A_32, %mul3A_34 : i32
    %mul3A_36 = arith.constant 8 : i32
    %mul3A_37 = arith.muli %add3A, %mul3A_36 : i32
    "tpu.region"() ({
      %run_scoped3A = tpu.sem_alloc : memref<!tpu.dma_semaphore, #tpu.memory_space<semaphore_mem>>
      %dma_start3A = arith.constant 0 : i32
      %dma_start3A_40 = tpu.memref_slice %arg2[%add3A_35, %dma_start3A] : memref<320000x128xf32, #tpu.memory_space<hbm>> -> memref<128x128xf32, #tpu.memory_space<hbm>>
      %dma_start3A_41 = arith.constant 0 : i32
      %dma_start3A_42 = tpu.memref_slice %arg2[%add3A_35, %dma_start3A_41] : memref<320000x128xf32, #tpu.memory_space<hbm>> -> memref<128x128xf32, #tpu.memory_space<hbm>>
      tpu.enqueue_dma source(%dma_start3A_42 : memref<128x128xf32, #tpu.memory_space<hbm>>) target(%arg4 : memref<128x128xf32, #tpu.memory_space<vmem>>) target_semaphore(%run_scoped3A : memref<!tpu.dma_semaphore, #tpu.memory_space<semaphore_mem>>)
      %dma_wait3A = arith.constant 0 : i32
      %dma_wait3A_43 = tpu.memref_slice %arg2[%add3A_35, %dma_wait3A] : memref<320000x128xf32, #tpu.memory_space<hbm>> -> memref<128x128xf32, #tpu.memory_space<hbm>>
      %dma_wait3A_44 = arith.constant 0 : i32
      %dma_wait3A_45 = tpu.memref_slice %arg2[%add3A_35, %dma_wait3A_44] : memref<320000x128xf32, #tpu.memory_space<hbm>> -> memref<128x128xf32, #tpu.memory_space<hbm>>
      tpu.wait_dma2 semaphore(%run_scoped3A : memref<!tpu.dma_semaphore, #tpu.memory_space<semaphore_mem>>) src(%dma_wait3A_45 : memref<128x128xf32, #tpu.memory_space<hbm>>) dst(%arg4 : memref<128x128xf32, #tpu.memory_space<vmem>>)
      tpu.yield
    }) : () -> ()
    %parallel_loop3A = arith.constant 0 : i32
    %parallel_loop3A_38 = arith.constant 8 : i32
    %parallel_loop3A_39 = arith.constant 1 : i32
    scf.for %parallel_loop3A_40 = %parallel_loop3A to %parallel_loop3A_38 step %parallel_loop3A_39  : i32 {
      %parallel_loop3A_41 = arith.constant 16 : i32
      %parallel_loop3A_42 = arith.muli %parallel_loop3A_40, %parallel_loop3A_41 : i32
      %parallel_loop3A_43 = arith.constant 0 : i32
      %parallel_loop3A_44 = arith.addi %parallel_loop3A_42, %parallel_loop3A_43 : i32
      %parallel_loop3A_45 = arith.index_cast %parallel_loop3A_44 : i32 to index
      %parallel_loop3A_46 = arith.constant 0 : index
      %parallel_loop3A_47 = tpu.vector_load %arg4[%parallel_loop3A_45, %parallel_loop3A_46] {strides = array<i32>} : memref<128x128xf32, #tpu.memory_space<vmem>>, vector<1x16xf32>,
      %parallel_loop3A_48 = vector.shape_cast %parallel_loop3A_47 : vector<1x16xf32> to vector<16xf32>
      %parallel_loop3A_49 = arith.constant 1 : i32
      %parallel_loop3A_50 = arith.addi %parallel_loop3A_42, %parallel_loop3A_49 : i32
      %parallel_loop3A_51 = arith.index_cast %parallel_loop3A_50 : i32 to index
      %parallel_loop3A_52 = arith.constant 0 : index
      %parallel_loop3A_53 = tpu.vector_load %arg4[%parallel_loop3A_51, %parallel_loop3A_52] {strides = array<i32>} : memref<128x128xf32, #tpu.memory_space<vmem>>, vector<1x16xf32>,
      %parallel_loop3A_54 = vector.shape_cast %parallel_loop3A_53 : vector<1x16xf32> to vector<16xf32>
      %parallel_loop3A_55 = arith.constant 2 : i32
      %parallel_loop3A_56 = arith.addi %parallel_loop3A_42, %parallel_loop3A_55 : i32
      %parallel_loop3A_57 = arith.index_cast %parallel_loop3A_56 : i32 to index
      %parallel_loop3A_58 = arith.constant 0 : index
      %parallel_loop3A_59 = tpu.vector_load %arg4[%parallel_loop3A_57, %parallel_loop3A_58] {strides = array<i32>} : memref<128x128xf32, #tpu.memory_space<vmem>>, vector<1x16xf32>,
      %parallel_loop3A_60 = vector.shape_cast %parallel_loop3A_59 : vector<1x16xf32> to vector<16xf32>
      %parallel_loop3A_61 = arith.constant 3 : i32
      %parallel_loop3A_62 = arith.addi %parallel_loop3A_42, %parallel_loop3A_61 : i32
      %parallel_loop3A_63 = arith.index_cast %parallel_loop3A_62 : i32 to index
      %parallel_loop3A_64 = arith.constant 0 : index
      %parallel_loop3A_65 = tpu.vector_load %arg4[%parallel_loop3A_63, %parallel_loop3A_64] {strides = array<i32>} : memref<128x128xf32, #tpu.memory_space<vmem>>, vector<1x16xf32>,
      %parallel_loop3A_66 = vector.shape_cast %parallel_loop3A_65 : vector<1x16xf32> to vector<16xf32>
      %parallel_loop3A_67 = arith.constant 4 : i32
      %parallel_loop3A_68 = arith.addi %parallel_loop3A_42, %parallel_loop3A_67 : i32
      %parallel_loop3A_69 = arith.index_cast %parallel_loop3A_68 : i32 to index
      %parallel_loop3A_70 = arith.constant 0 : index
      %parallel_loop3A_71 = tpu.vector_load %arg4[%parallel_loop3A_69, %parallel_loop3A_70] {strides = array<i32>} : memref<128x128xf32, #tpu.memory_space<vmem>>, vector<1x16xf32>,
      %parallel_loop3A_72 = vector.shape_cast %parallel_loop3A_71 : vector<1x16xf32> to vector<16xf32>
      %parallel_loop3A_73 = arith.constant 5 : i32
      %parallel_loop3A_74 = arith.addi %parallel_loop3A_42, %parallel_loop3A_73 : i32
      %parallel_loop3A_75 = arith.index_cast %parallel_loop3A_74 : i32 to index
      %parallel_loop3A_76 = arith.constant 0 : index
      %parallel_loop3A_77 = tpu.vector_load %arg4[%parallel_loop3A_75, %parallel_loop3A_76] {strides = array<i32>} : memref<128x128xf32, #tpu.memory_space<vmem>>, vector<1x16xf32>,
      %parallel_loop3A_78 = vector.shape_cast %parallel_loop3A_77 : vector<1x16xf32> to vector<16xf32>
      %parallel_loop3A_79 = arith.constant 6 : i32
      %parallel_loop3A_80 = arith.addi %parallel_loop3A_42, %parallel_loop3A_79 : i32
      %parallel_loop3A_81 = arith.index_cast %parallel_loop3A_80 : i32 to index
      %parallel_loop3A_82 = arith.constant 0 : index
      %parallel_loop3A_83 = tpu.vector_load %arg4[%parallel_loop3A_81, %parallel_loop3A_82] {strides = array<i32>} : memref<128x128xf32, #tpu.memory_space<vmem>>, vector<1x16xf32>,
      %parallel_loop3A_84 = vector.shape_cast %parallel_loop3A_83 : vector<1x16xf32> to vector<16xf32>
      %parallel_loop3A_85 = arith.constant 7 : i32
      %parallel_loop3A_86 = arith.addi %parallel_loop3A_42, %parallel_loop3A_85 : i32
      %parallel_loop3A_87 = arith.index_cast %parallel_loop3A_86 : i32 to index
      %parallel_loop3A_88 = arith.constant 0 : index
      %parallel_loop3A_89 = tpu.vector_load %arg4[%parallel_loop3A_87, %parallel_loop3A_88] {strides = array<i32>} : memref<128x128xf32, #tpu.memory_space<vmem>>, vector<1x16xf32>,
      %parallel_loop3A_90 = vector.shape_cast %parallel_loop3A_89 : vector<1x16xf32> to vector<16xf32>
      %parallel_loop3A_91 = arith.constant 8 : i32
      %parallel_loop3A_92 = arith.addi %parallel_loop3A_42, %parallel_loop3A_91 : i32
      %parallel_loop3A_93 = arith.index_cast %parallel_loop3A_92 : i32 to index
      %parallel_loop3A_94 = arith.constant 0 : index
      %parallel_loop3A_95 = tpu.vector_load %arg4[%parallel_loop3A_93, %parallel_loop3A_94] {strides = array<i32>} : memref<128x128xf32, #tpu.memory_space<vmem>>, vector<1x16xf32>,
      %parallel_loop3A_96 = vector.shape_cast %parallel_loop3A_95 : vector<1x16xf32> to vector<16xf32>
      %parallel_loop3A_97 = arith.constant 9 : i32
      %parallel_loop3A_98 = arith.addi %parallel_loop3A_42, %parallel_loop3A_97 : i32
      %parallel_loop3A_99 = arith.index_cast %parallel_loop3A_98 : i32 to index
      %parallel_loop3A_100 = arith.constant 0 : index
      %parallel_loop3A_101 = tpu.vector_load %arg4[%parallel_loop3A_99, %parallel_loop3A_100] {strides = array<i32>} : memref<128x128xf32, #tpu.memory_space<vmem>>, vector<1x16xf32>,
      %parallel_loop3A_102 = vector.shape_cast %parallel_loop3A_101 : vector<1x16xf32> to vector<16xf32>
      %parallel_loop3A_103 = arith.constant 10 : i32
      %parallel_loop3A_104 = arith.addi %parallel_loop3A_42, %parallel_loop3A_103 : i32
      %parallel_loop3A_105 = arith.index_cast %parallel_loop3A_104 : i32 to index
      %parallel_loop3A_106 = arith.constant 0 : index
      %parallel_loop3A_107 = tpu.vector_load %arg4[%parallel_loop3A_105, %parallel_loop3A_106] {strides = array<i32>} : memref<128x128xf32, #tpu.memory_space<vmem>>, vector<1x16xf32>,
      %parallel_loop3A_108 = vector.shape_cast %parallel_loop3A_107 : vector<1x16xf32> to vector<16xf32>
      %parallel_loop3A_109 = arith.constant 11 : i32
      %parallel_loop3A_110 = arith.addi %parallel_loop3A_42, %parallel_loop3A_109 : i32
      %parallel_loop3A_111 = arith.index_cast %parallel_loop3A_110 : i32 to index
      %parallel_loop3A_112 = arith.constant 0 : index
      %parallel_loop3A_113 = tpu.vector_load %arg4[%parallel_loop3A_111, %parallel_loop3A_112] {strides = array<i32>} : memref<128x128xf32, #tpu.memory_space<vmem>>, vector<1x16xf32>,
      %parallel_loop3A_114 = vector.shape_cast %parallel_loop3A_113 : vector<1x16xf32> to vector<16xf32>
      %parallel_loop3A_115 = arith.constant 12 : i32
      %parallel_loop3A_116 = arith.addi %parallel_loop3A_42, %parallel_loop3A_115 : i32
      %parallel_loop3A_117 = arith.index_cast %parallel_loop3A_116 : i32 to index
      %parallel_loop3A_118 = arith.constant 0 : index
      %parallel_loop3A_119 = tpu.vector_load %arg4[%parallel_loop3A_117, %parallel_loop3A_118] {strides = array<i32>} : memref<128x128xf32, #tpu.memory_space<vmem>>, vector<1x16xf32>,
      %parallel_loop3A_120 = vector.shape_cast %parallel_loop3A_119 : vector<1x16xf32> to vector<16xf32>
      %parallel_loop3A_121 = arith.constant 13 : i32
      %parallel_loop3A_122 = arith.addi %parallel_loop3A_42, %parallel_loop3A_121 : i32
      %parallel_loop3A_123 = arith.index_cast %parallel_loop3A_122 : i32 to index
      %parallel_loop3A_124 = arith.constant 0 : index
      %parallel_loop3A_125 = tpu.vector_load %arg4[%parallel_loop3A_123, %parallel_loop3A_124] {strides = array<i32>} : memref<128x128xf32, #tpu.memory_space<vmem>>, vector<1x16xf32>,
      %parallel_loop3A_126 = vector.shape_cast %parallel_loop3A_125 : vector<1x16xf32> to vector<16xf32>
      %parallel_loop3A_127 = arith.constant 14 : i32
      %parallel_loop3A_128 = arith.addi %parallel_loop3A_42, %parallel_loop3A_127 : i32
      %parallel_loop3A_129 = arith.index_cast %parallel_loop3A_128 : i32 to index
      %parallel_loop3A_130 = arith.constant 0 : index
      %parallel_loop3A_131 = tpu.vector_load %arg4[%parallel_loop3A_129, %parallel_loop3A_130] {strides = array<i32>} : memref<128x128xf32, #tpu.memory_space<vmem>>, vector<1x16xf32>,
      %parallel_loop3A_132 = vector.shape_cast %parallel_loop3A_131 : vector<1x16xf32> to vector<16xf32>
      %parallel_loop3A_133 = arith.constant 15 : i32
      %parallel_loop3A_134 = arith.addi %parallel_loop3A_42, %parallel_loop3A_133 : i32
      %parallel_loop3A_135 = arith.index_cast %parallel_loop3A_134 : i32 to index
      %parallel_loop3A_136 = arith.constant 0 : index
      %parallel_loop3A_137 = tpu.vector_load %arg4[%parallel_loop3A_135, %parallel_loop3A_136] {strides = array<i32>} : memref<128x128xf32, #tpu.memory_space<vmem>>, vector<1x16xf32>,
      %parallel_loop3A_138 = vector.shape_cast %parallel_loop3A_137 : vector<1x16xf32> to vector<16xf32>
      %parallel_loop3A_139 = arith.addf %parallel_loop3A_48, %parallel_loop3A_54 : vector<16xf32>
      %parallel_loop3A_140 = arith.addf %parallel_loop3A_60, %parallel_loop3A_66 : vector<16xf32>
      %parallel_loop3A_141 = arith.addf %parallel_loop3A_72, %parallel_loop3A_78 : vector<16xf32>
      %parallel_loop3A_142 = arith.addf %parallel_loop3A_84, %parallel_loop3A_90 : vector<16xf32>
      %parallel_loop3A_143 = arith.addf %parallel_loop3A_96, %parallel_loop3A_102 : vector<16xf32>
      %parallel_loop3A_144 = arith.addf %parallel_loop3A_108, %parallel_loop3A_114 : vector<16xf32>
      %parallel_loop3A_145 = arith.addf %parallel_loop3A_120, %parallel_loop3A_126 : vector<16xf32>
      %parallel_loop3A_146 = arith.addf %parallel_loop3A_132, %parallel_loop3A_138 : vector<16xf32>
      %parallel_loop3A_147 = arith.addf %parallel_loop3A_139, %parallel_loop3A_140 : vector<16xf32>
      %parallel_loop3A_148 = arith.addf %parallel_loop3A_141, %parallel_loop3A_142 : vector<16xf32>
      %parallel_loop3A_149 = arith.addf %parallel_loop3A_143, %parallel_loop3A_144 : vector<16xf32>
      %parallel_loop3A_150 = arith.addf %parallel_loop3A_145, %parallel_loop3A_146 : vector<16xf32>
      %parallel_loop3A_151 = arith.addf %parallel_loop3A_147, %parallel_loop3A_148 : vector<16xf32>
      %parallel_loop3A_152 = arith.addf %parallel_loop3A_149, %parallel_loop3A_150 : vector<16xf32>
      %parallel_loop3A_153 = arith.addf %parallel_loop3A_151, %parallel_loop3A_152 : vector<16xf32>
      %parallel_loop3A_154 = arith.constant 6.250000e-02 : f32
      %parallel_loop3A_155 = vector.broadcast %parallel_loop3A_154 : f32 to vector<16xf32>
      %parallel_loop3A_156 = arith.mulf %parallel_loop3A_153, %parallel_loop3A_155 : vector<16xf32>
      %parallel_loop3A_157 = arith.index_cast %parallel_loop3A_40 : i32 to index
      %parallel_loop3A_158 = arith.constant 0 : index
      %parallel_loop3A_159 = tpu.vector_load %arg5[%parallel_loop3A_157, %parallel_loop3A_158] {strides = array<i32>} : memref<8x128xf32, #tpu.memory_space<vmem>>, vector<1x16xf32>,
      %parallel_loop3A_160 = vector.shape_cast %parallel_loop3A_159 : vector<1x16xf32> to vector<16xf32>
      %parallel_loop3A_161 = vector.shape_cast %parallel_loop3A_156 : vector<16xf32> to vector<1x16xf32>
      tpu.vector_store %arg5[%parallel_loop3A_157, %parallel_loop3A_158], %parallel_loop3A_161 {strides = array<i32>} : memref<8x128xf32, #tpu.memory_space<vmem>>, vector<1x16xf32>,
      %parallel_loop3A_162 = arith.constant 0 : i32
      %parallel_loop3A_163 = arith.addi %parallel_loop3A_42, %parallel_loop3A_162 : i32
      %parallel_loop3A_164 = arith.index_cast %parallel_loop3A_163 : i32 to index
      %parallel_loop3A_165 = arith.constant 16 : index
      %parallel_loop3A_166 = tpu.vector_load %arg4[%parallel_loop3A_164, %parallel_loop3A_165] {strides = array<i32>} : memref<128x128xf32, #tpu.memory_space<vmem>>, vector<1x16xf32>,
      %parallel_loop3A_167 = vector.shape_cast %parallel_loop3A_166 : vector<1x16xf32> to vector<16xf32>
      %parallel_loop3A_168 = arith.constant 1 : i32
      %parallel_loop3A_169 = arith.addi %parallel_loop3A_42, %parallel_loop3A_168 : i32
      %parallel_loop3A_170 = arith.index_cast %parallel_loop3A_169 : i32 to index
      %parallel_loop3A_171 = arith.constant 16 : index
      %parallel_loop3A_172 = tpu.vector_load %arg4[%parallel_loop3A_170, %parallel_loop3A_171] {strides = array<i32>} : memref<128x128xf32, #tpu.memory_space<vmem>>, vector<1x16xf32>,
      %parallel_loop3A_173 = vector.shape_cast %parallel_loop3A_172 : vector<1x16xf32> to vector<16xf32>
      %parallel_loop3A_174 = arith.constant 2 : i32
      %parallel_loop3A_175 = arith.addi %parallel_loop3A_42, %parallel_loop3A_174 : i32
      %parallel_loop3A_176 = arith.index_cast %parallel_loop3A_175 : i32 to index
      %parallel_loop3A_177 = arith.constant 16 : index
      %parallel_loop3A_178 = tpu.vector_load %arg4[%parallel_loop3A_176, %parallel_loop3A_177] {strides = array<i32>} : memref<128x128xf32, #tpu.memory_space<vmem>>, vector<1x16xf32>,
      %parallel_loop3A_179 = vector.shape_cast %parallel_loop3A_178 : vector<1x16xf32> to vector<16xf32>
      %parallel_loop3A_180 = arith.constant 3 : i32
      %parallel_loop3A_181 = arith.addi %parallel_loop3A_42, %parallel_loop3A_180 : i32
      %parallel_loop3A_182 = arith.index_cast %parallel_loop3A_181 : i32 to index
      %parallel_loop3A_183 = arith.constant 16 : index
      %parallel_loop3A_184 = tpu.vector_load %arg4[%parallel_loop3A_182, %parallel_loop3A_183] {strides = array<i32>} : memref<128x128xf32, #tpu.memory_space<vmem>>, vector<1x16xf32>,
      %parallel_loop3A_185 = vector.shape_cast %parallel_loop3A_184 : vector<1x16xf32> to vector<16xf32>
      %parallel_loop3A_186 = arith.constant 4 : i32
      %parallel_loop3A_187 = arith.addi %parallel_loop3A_42, %parallel_loop3A_186 : i32
      %parallel_loop3A_188 = arith.index_cast %parallel_loop3A_187 : i32 to index
      %parallel_loop3A_189 = arith.constant 16 : index
      %parallel_loop3A_190 = tpu.vector_load %arg4[%parallel_loop3A_188, %parallel_loop3A_189] {strides = array<i32>} : memref<128x128xf32, #tpu.memory_space<vmem>>, vector<1x16xf32>,
      %parallel_loop3A_191 = vector.shape_cast %parallel_loop3A_190 : vector<1x16xf32> to vector<16xf32>
      %parallel_loop3A_192 = arith.constant 5 : i32
      %parallel_loop3A_193 = arith.addi %parallel_loop3A_42, %parallel_loop3A_192 : i32
      %parallel_loop3A_194 = arith.index_cast %parallel_loop3A_193 : i32 to index
      %parallel_loop3A_195 = arith.constant 16 : index
      %parallel_loop3A_196 = tpu.vector_load %arg4[%parallel_loop3A_194, %parallel_loop3A_195] {strides = array<i32>} : memref<128x128xf32, #tpu.memory_space<vmem>>, vector<1x16xf32>,
      %parallel_loop3A_197 = vector.shape_cast %parallel_loop3A_196 : vector<1x16xf32> to vector<16xf32>
      %parallel_loop3A_198 = arith.constant 6 : i32
      %parallel_loop3A_199 = arith.addi %parallel_loop3A_42, %parallel_loop3A_198 : i32
      %parallel_loop3A_200 = arith.index_cast %parallel_loop3A_199 : i32 to index
      %parallel_loop3A_201 = arith.constant 16 : index
      %parallel_loop3A_202 = tpu.vector_load %arg4[%parallel_loop3A_200, %parallel_loop3A_201] {strides = array<i32>} : memref<128x128xf32, #tpu.memory_space<vmem>>, vector<1x16xf32>,
      %parallel_loop3A_203 = vector.shape_cast %parallel_loop3A_202 : vector<1x16xf32> to vector<16xf32>
      %parallel_loop3A_204 = arith.constant 7 : i32
      %parallel_loop3A_205 = arith.addi %parallel_loop3A_42, %parallel_loop3A_204 : i32
      %parallel_loop3A_206 = arith.index_cast %parallel_loop3A_205 : i32 to index
      %parallel_loop3A_207 = arith.constant 16 : index
      %parallel_loop3A_208 = tpu.vector_load %arg4[%parallel_loop3A_206, %parallel_loop3A_207] {strides = array<i32>} : memref<128x128xf32, #tpu.memory_space<vmem>>, vector<1x16xf32>,
      %parallel_loop3A_209 = vector.shape_cast %parallel_loop3A_208 : vector<1x16xf32> to vector<16xf32>
      %parallel_loop3A_210 = arith.constant 8 : i32
      %parallel_loop3A_211 = arith.addi %parallel_loop3A_42, %parallel_loop3A_210 : i32
      %parallel_loop3A_212 = arith.index_cast %parallel_loop3A_211 : i32 to index
      %parallel_loop3A_213 = arith.constant 16 : index
      %parallel_loop3A_214 = tpu.vector_load %arg4[%parallel_loop3A_212, %parallel_loop3A_213] {strides = array<i32>} : memref<128x128xf32, #tpu.memory_space<vmem>>, vector<1x16xf32>,
      %parallel_loop3A_215 = vector.shape_cast %parallel_loop3A_214 : vector<1x16xf32> to vector<16xf32>
      %parallel_loop3A_216 = arith.constant 9 : i32
      %parallel_loop3A_217 = arith.addi %parallel_loop3A_42, %parallel_loop3A_216 : i32
      %parallel_loop3A_218 = arith.index_cast %parallel_loop3A_217 : i32 to index
      %parallel_loop3A_219 = arith.constant 16 : index
      %parallel_loop3A_220 = tpu.vector_load %arg4[%parallel_loop3A_218, %parallel_loop3A_219] {strides = array<i32>} : memref<128x128xf32, #tpu.memory_space<vmem>>, vector<1x16xf32>,
      %parallel_loop3A_221 = vector.shape_cast %parallel_loop3A_220 : vector<1x16xf32> to vector<16xf32>
      %parallel_loop3A_222 = arith.constant 10 : i32
      %parallel_loop3A_223 = arith.addi %parallel_loop3A_42, %parallel_loop3A_222 : i32
      %parallel_loop3A_224 = arith.index_cast %parallel_loop3A_223 : i32 to index
      %parallel_loop3A_225 = arith.constant 16 : index
      %parallel_loop3A_226 = tpu.vector_load %arg4[%parallel_loop3A_224, %parallel_loop3A_225] {strides = array<i32>} : memref<128x128xf32, #tpu.memory_space<vmem>>, vector<1x16xf32>,
      %parallel_loop3A_227 = vector.shape_cast %parallel_loop3A_226 : vector<1x16xf32> to vector<16xf32>
      %parallel_loop3A_228 = arith.constant 11 : i32
      %parallel_loop3A_229 = arith.addi %parallel_loop3A_42, %parallel_loop3A_228 : i32
      %parallel_loop3A_230 = arith.index_cast %parallel_loop3A_229 : i32 to index
      %parallel_loop3A_231 = arith.constant 16 : index
      %parallel_loop3A_232 = tpu.vector_load %arg4[%parallel_loop3A_230, %parallel_loop3A_231] {strides = array<i32>} : memref<128x128xf32, #tpu.memory_space<vmem>>, vector<1x16xf32>,
      %parallel_loop3A_233 = vector.shape_cast %parallel_loop3A_232 : vector<1x16xf32> to vector<16xf32>
      %parallel_loop3A_234 = arith.constant 12 : i32
      %parallel_loop3A_235 = arith.addi %parallel_loop3A_42, %parallel_loop3A_234 : i32
      %parallel_loop3A_236 = arith.index_cast %parallel_loop3A_235 : i32 to index
      %parallel_loop3A_237 = arith.constant 16 : index
      %parallel_loop3A_238 = tpu.vector_load %arg4[%parallel_loop3A_236, %parallel_loop3A_237] {strides = array<i32>} : memref<128x128xf32, #tpu.memory_space<vmem>>, vector<1x16xf32>,
      %parallel_loop3A_239 = vector.shape_cast %parallel_loop3A_238 : vector<1x16xf32> to vector<16xf32>
      %parallel_loop3A_240 = arith.constant 13 : i32
      %parallel_loop3A_241 = arith.addi %parallel_loop3A_42, %parallel_loop3A_240 : i32
      %parallel_loop3A_242 = arith.index_cast %parallel_loop3A_241 : i32 to index
      %parallel_loop3A_243 = arith.constant 16 : index
      %parallel_loop3A_244 = tpu.vector_load %arg4[%parallel_loop3A_242, %parallel_loop3A_243] {strides = array<i32>} : memref<128x128xf32, #tpu.memory_space<vmem>>, vector<1x16xf32>,
      %parallel_loop3A_245 = vector.shape_cast %parallel_loop3A_244 : vector<1x16xf32> to vector<16xf32>
      %parallel_loop3A_246 = arith.constant 14 : i32
      %parallel_loop3A_247 = arith.addi %parallel_loop3A_42, %parallel_loop3A_246 : i32
      %parallel_loop3A_248 = arith.index_cast %parallel_loop3A_247 : i32 to index
      %parallel_loop3A_249 = arith.constant 16 : index
      %parallel_loop3A_250 = tpu.vector_load %arg4[%parallel_loop3A_248, %parallel_loop3A_249] {strides = array<i32>} : memref<128x128xf32, #tpu.memory_space<vmem>>, vector<1x16xf32>,
      %parallel_loop3A_251 = vector.shape_cast %parallel_loop3A_250 : vector<1x16xf32> to vector<16xf32>
      %parallel_loop3A_252 = arith.constant 15 : i32
      %parallel_loop3A_253 = arith.addi %parallel_loop3A_42, %parallel_loop3A_252 : i32
      %parallel_loop3A_254 = arith.index_cast %parallel_loop3A_253 : i32 to index
      %parallel_loop3A_255 = arith.constant 16 : index
      %parallel_loop3A_256 = tpu.vector_load %arg4[%parallel_loop3A_254, %parallel_loop3A_255] {strides = array<i32>} : memref<128x128xf32, #tpu.memory_space<vmem>>, vector<1x16xf32>,
      %parallel_loop3A_257 = vector.shape_cast %parallel_loop3A_256 : vector<1x16xf32> to vector<16xf32>
      %parallel_loop3A_258 = arith.addf %parallel_loop3A_167, %parallel_loop3A_173 : vector<16xf32>
      %parallel_loop3A_259 = arith.addf %parallel_loop3A_179, %parallel_loop3A_185 : vector<16xf32>
      %parallel_loop3A_260 = arith.addf %parallel_loop3A_191, %parallel_loop3A_197 : vector<16xf32>
      %parallel_loop3A_261 = arith.addf %parallel_loop3A_203, %parallel_loop3A_209 : vector<16xf32>
      %parallel_loop3A_262 = arith.addf %parallel_loop3A_215, %parallel_loop3A_221 : vector<16xf32>
      %parallel_loop3A_263 = arith.addf %parallel_loop3A_227, %parallel_loop3A_233 : vector<16xf32>
      %parallel_loop3A_264 = arith.addf %parallel_loop3A_239, %parallel_loop3A_245 : vector<16xf32>
      %parallel_loop3A_265 = arith.addf %parallel_loop3A_251, %parallel_loop3A_257 : vector<16xf32>
      %parallel_loop3A_266 = arith.addf %parallel_loop3A_258, %parallel_loop3A_259 : vector<16xf32>
      %parallel_loop3A_267 = arith.addf %parallel_loop3A_260, %parallel_loop3A_261 : vector<16xf32>
      %parallel_loop3A_268 = arith.addf %parallel_loop3A_262, %parallel_loop3A_263 : vector<16xf32>
      %parallel_loop3A_269 = arith.addf %parallel_loop3A_264, %parallel_loop3A_265 : vector<16xf32>
      %parallel_loop3A_270 = arith.addf %parallel_loop3A_266, %parallel_loop3A_267 : vector<16xf32>
      %parallel_loop3A_271 = arith.addf %parallel_loop3A_268, %parallel_loop3A_269 : vector<16xf32>
      %parallel_loop3A_272 = arith.addf %parallel_loop3A_270, %parallel_loop3A_271 : vector<16xf32>
      %parallel_loop3A_273 = arith.constant 6.250000e-02 : f32
      %parallel_loop3A_274 = vector.broadcast %parallel_loop3A_273 : f32 to vector<16xf32>
      %parallel_loop3A_275 = arith.mulf %parallel_loop3A_272, %parallel_loop3A_274 : vector<16xf32>
      %parallel_loop3A_276 = arith.index_cast %parallel_loop3A_40 : i32 to index
      %parallel_loop3A_277 = arith.constant 16 : index
      %parallel_loop3A_278 = tpu.vector_load %arg5[%parallel_loop3A_276, %parallel_loop3A_277] {strides = array<i32>} : memref<8x128xf32, #tpu.memory_space<vmem>>, vector<1x16xf32>,
      %parallel_loop3A_279 = vector.shape_cast %parallel_loop3A_278 : vector<1x16xf32> to vector<16xf32>
      %parallel_loop3A_280 = vector.shape_cast %parallel_loop3A_275 : vector<16xf32> to vector<1x16xf32>
      tpu.vector_store %arg5[%parallel_loop3A_276, %parallel_loop3A_277], %parallel_loop3A_280 {strides = array<i32>} : memref<8x128xf32, #tpu.memory_space<vmem>>, vector<1x16xf32>,
      %parallel_loop3A_281 = arith.constant 0 : i32
      %parallel_loop3A_282 = arith.addi %parallel_loop3A_42, %parallel_loop3A_281 : i32
      %parallel_loop3A_283 = arith.index_cast %parallel_loop3A_282 : i32 to index
      %parallel_loop3A_284 = arith.constant 32 : index
      %parallel_loop3A_285 = tpu.vector_load %arg4[%parallel_loop3A_283, %parallel_loop3A_284] {strides = array<i32>} : memref<128x128xf32, #tpu.memory_space<vmem>>, vector<1x16xf32>,
      %parallel_loop3A_286 = vector.shape_cast %parallel_loop3A_285 : vector<1x16xf32> to vector<16xf32>
      %parallel_loop3A_287 = arith.constant 1 : i32
      %parallel_loop3A_288 = arith.addi %parallel_loop3A_42, %parallel_loop3A_287 : i32
      %parallel_loop3A_289 = arith.index_cast %parallel_loop3A_288 : i32 to index
      %parallel_loop3A_290 = arith.constant 32 : index
      %parallel_loop3A_291 = tpu.vector_load %arg4[%parallel_loop3A_289, %parallel_loop3A_290] {strides = array<i32>} : memref<128x128xf32, #tpu.memory_space<vmem>>, vector<1x16xf32>,
      %parallel_loop3A_292 = vector.shape_cast %parallel_loop3A_291 : vector<1x16xf32> to vector<16xf32>
      %parallel_loop3A_293 = arith.constant 2 : i32
      %parallel_loop3A_294 = arith.addi %parallel_loop3A_42, %parallel_loop3A_293 : i32
      %parallel_loop3A_295 = arith.index_cast %parallel_loop3A_294 : i32 to index
      %parallel_loop3A_296 = arith.constant 32 : index
      %parallel_loop3A_297 = tpu.vector_load %arg4[%parallel_loop3A_295, %parallel_loop3A_296] {strides = array<i32>} : memref<128x128xf32, #tpu.memory_space<vmem>>, vector<1x16xf32>,
      %parallel_loop3A_298 = vector.shape_cast %parallel_loop3A_297 : vector<1x16xf32> to vector<16xf32>
      %parallel_loop3A_299 = arith.constant 3 : i32
      %parallel_loop3A_300 = arith.addi %parallel_loop3A_42, %parallel_loop3A_299 : i32
      %parallel_loop3A_301 = arith.index_cast %parallel_loop3A_300 : i32 to index
      %parallel_loop3A_302 = arith.constant 32 : index
      %parallel_loop3A_303 = tpu.vector_load %arg4[%parallel_loop3A_301, %parallel_loop3A_302] {strides = array<i32>} : memref<128x128xf32, #tpu.memory_space<vmem>>, vector<1x16xf32>,
      %parallel_loop3A_304 = vector.shape_cast %parallel_loop3A_303 : vector<1x16xf32> to vector<16xf32>
      %parallel_loop3A_305 = arith.constant 4 : i32
      %parallel_loop3A_306 = arith.addi %parallel_loop3A_42, %parallel_loop3A_305 : i32
      %parallel_loop3A_307 = arith.index_cast %parallel_loop3A_306 : i32 to index
      %parallel_loop3A_308 = arith.constant 32 : index
      %parallel_loop3A_309 = tpu.vector_load %arg4[%parallel_loop3A_307, %parallel_loop3A_308] {strides = array<i32>} : memref<128x128xf32, #tpu.memory_space<vmem>>, vector<1x16xf32>,
      %parallel_loop3A_310 = vector.shape_cast %parallel_loop3A_309 : vector<1x16xf32> to vector<16xf32>
      %parallel_loop3A_311 = arith.constant 5 : i32
      %parallel_loop3A_312 = arith.addi %parallel_loop3A_42, %parallel_loop3A_311 : i32
      %parallel_loop3A_313 = arith.index_cast %parallel_loop3A_312 : i32 to index
      %parallel_loop3A_314 = arith.constant 32 : index
      %parallel_loop3A_315 = tpu.vector_load %arg4[%parallel_loop3A_313, %parallel_loop3A_314] {strides = array<i32>} : memref<128x128xf32, #tpu.memory_space<vmem>>, vector<1x16xf32>,
      %parallel_loop3A_316 = vector.shape_cast %parallel_loop3A_315 : vector<1x16xf32> to vector<16xf32>
      %parallel_loop3A_317 = arith.constant 6 : i32
      %parallel_loop3A_318 = arith.addi %parallel_loop3A_42, %parallel_loop3A_317 : i32
      %parallel_loop3A_319 = arith.index_cast %parallel_loop3A_318 : i32 to index
      %parallel_loop3A_320 = arith.constant 32 : index
      %parallel_loop3A_321 = tpu.vector_load %arg4[%parallel_loop3A_319, %parallel_loop3A_320] {strides = array<i32>} : memref<128x128xf32, #tpu.memory_space<vmem>>, vector<1x16xf32>,
      %parallel_loop3A_322 = vector.shape_cast %parallel_loop3A_321 : vector<1x16xf32> to vector<16xf32>
      %parallel_loop3A_323 = arith.constant 7 : i32
      %parallel_loop3A_324 = arith.addi %parallel_loop3A_42, %parallel_loop3A_323 : i32
      %parallel_loop3A_325 = arith.index_cast %parallel_loop3A_324 : i32 to index
      %parallel_loop3A_326 = arith.constant 32 : index
      %parallel_loop3A_327 = tpu.vector_load %arg4[%parallel_loop3A_325, %parallel_loop3A_326] {strides = array<i32>} : memref<128x128xf32, #tpu.memory_space<vmem>>, vector<1x16xf32>,
      %parallel_loop3A_328 = vector.shape_cast %parallel_loop3A_327 : vector<1x16xf32> to vector<16xf32>
      %parallel_loop3A_329 = arith.constant 8 : i32
      %parallel_loop3A_330 = arith.addi %parallel_loop3A_42, %parallel_loop3A_329 : i32
      %parallel_loop3A_331 = arith.index_cast %parallel_loop3A_330 : i32 to index
      %parallel_loop3A_332 = arith.constant 32 : index
      %parallel_loop3A_333 = tpu.vector_load %arg4[%parallel_loop3A_331, %parallel_loop3A_332] {strides = array<i32>} : memref<128x128xf32, #tpu.memory_space<vmem>>, vector<1x16xf32>,
      %parallel_loop3A_334 = vector.shape_cast %parallel_loop3A_333 : vector<1x16xf32> to vector<16xf32>
      %parallel_loop3A_335 = arith.constant 9 : i32
      %parallel_loop3A_336 = arith.addi %parallel_loop3A_42, %parallel_loop3A_335 : i32
      %parallel_loop3A_337 = arith.index_cast %parallel_loop3A_336 : i32 to index
      %parallel_loop3A_338 = arith.constant 32 : index
      %parallel_loop3A_339 = tpu.vector_load %arg4[%parallel_loop3A_337, %parallel_loop3A_338] {strides = array<i32>} : memref<128x128xf32, #tpu.memory_space<vmem>>, vector<1x16xf32>,
      %parallel_loop3A_340 = vector.shape_cast %parallel_loop3A_339 : vector<1x16xf32> to vector<16xf32>
      %parallel_loop3A_341 = arith.constant 10 : i32
      %parallel_loop3A_342 = arith.addi %parallel_loop3A_42, %parallel_loop3A_341 : i32
      %parallel_loop3A_343 = arith.index_cast %parallel_loop3A_342 : i32 to index
      %parallel_loop3A_344 = arith.constant 32 : index
      %parallel_loop3A_345 = tpu.vector_load %arg4[%parallel_loop3A_343, %parallel_loop3A_344] {strides = array<i32>} : memref<128x128xf32, #tpu.memory_space<vmem>>, vector<1x16xf32>,
      %parallel_loop3A_346 = vector.shape_cast %parallel_loop3A_345 : vector<1x16xf32> to vector<16xf32>
      %parallel_loop3A_347 = arith.constant 11 : i32
      %parallel_loop3A_348 = arith.addi %parallel_loop3A_42, %parallel_loop3A_347 : i32
      %parallel_loop3A_349 = arith.index_cast %parallel_loop3A_348 : i32 to index
      %parallel_loop3A_350 = arith.constant 32 : index
      %parallel_loop3A_351 = tpu.vector_load %arg4[%parallel_loop3A_349, %parallel_loop3A_350] {strides = array<i32>} : memref<128x128xf32, #tpu.memory_space<vmem>>, vector<1x16xf32>,
      %parallel_loop3A_352 = vector.shape_cast %parallel_loop3A_351 : vector<1x16xf32> to vector<16xf32>
      %parallel_loop3A_353 = arith.constant 12 : i32
      %parallel_loop3A_354 = arith.addi %parallel_loop3A_42, %parallel_loop3A_353 : i32
      %parallel_loop3A_355 = arith.index_cast %parallel_loop3A_354 : i32 to index
      %parallel_loop3A_356 = arith.constant 32 : index
      %parallel_loop3A_357 = tpu.vector_load %arg4[%parallel_loop3A_355, %parallel_loop3A_356] {strides = array<i32>} : memref<128x128xf32, #tpu.memory_space<vmem>>, vector<1x16xf32>,
      %parallel_loop3A_358 = vector.shape_cast %parallel_loop3A_357 : vector<1x16xf32> to vector<16xf32>
      %parallel_loop3A_359 = arith.constant 13 : i32
      %parallel_loop3A_360 = arith.addi %parallel_loop3A_42, %parallel_loop3A_359 : i32
      %parallel_loop3A_361 = arith.index_cast %parallel_loop3A_360 : i32 to index
      %parallel_loop3A_362 = arith.constant 32 : index
      %parallel_loop3A_363 = tpu.vector_load %arg4[%parallel_loop3A_361, %parallel_loop3A_362] {strides = array<i32>} : memref<128x128xf32, #tpu.memory_space<vmem>>, vector<1x16xf32>,
      %parallel_loop3A_364 = vector.shape_cast %parallel_loop3A_363 : vector<1x16xf32> to vector<16xf32>
      %parallel_loop3A_365 = arith.constant 14 : i32
      %parallel_loop3A_366 = arith.addi %parallel_loop3A_42, %parallel_loop3A_365 : i32
      %parallel_loop3A_367 = arith.index_cast %parallel_loop3A_366 : i32 to index
      %parallel_loop3A_368 = arith.constant 32 : index
      %parallel_loop3A_369 = tpu.vector_load %arg4[%parallel_loop3A_367, %parallel_loop3A_368] {strides = array<i32>} : memref<128x128xf32, #tpu.memory_space<vmem>>, vector<1x16xf32>,
      %parallel_loop3A_370 = vector.shape_cast %parallel_loop3A_369 : vector<1x16xf32> to vector<16xf32>
      %parallel_loop3A_371 = arith.constant 15 : i32
      %parallel_loop3A_372 = arith.addi %parallel_loop3A_42, %parallel_loop3A_371 : i32
      %parallel_loop3A_373 = arith.index_cast %parallel_loop3A_372 : i32 to index
      %parallel_loop3A_374 = arith.constant 32 : index
      %parallel_loop3A_375 = tpu.vector_load %arg4[%parallel_loop3A_373, %parallel_loop3A_374] {strides = array<i32>} : memref<128x128xf32, #tpu.memory_space<vmem>>, vector<1x16xf32>,
      %parallel_loop3A_376 = vector.shape_cast %parallel_loop3A_375 : vector<1x16xf32> to vector<16xf32>
      %parallel_loop3A_377 = arith.addf %parallel_loop3A_286, %parallel_loop3A_292 : vector<16xf32>
      %parallel_loop3A_378 = arith.addf %parallel_loop3A_298, %parallel_loop3A_304 : vector<16xf32>
      %parallel_loop3A_379 = arith.addf %parallel_loop3A_310, %parallel_loop3A_316 : vector<16xf32>
      %parallel_loop3A_380 = arith.addf %parallel_loop3A_322, %parallel_loop3A_328 : vector<16xf32>
      %parallel_loop3A_381 = arith.addf %parallel_loop3A_334, %parallel_loop3A_340 : vector<16xf32>
      %parallel_loop3A_382 = arith.addf %parallel_loop3A_346, %parallel_loop3A_352 : vector<16xf32>
      %parallel_loop3A_383 = arith.addf %parallel_loop3A_358, %parallel_loop3A_364 : vector<16xf32>
      %parallel_loop3A_384 = arith.addf %parallel_loop3A_370, %parallel_loop3A_376 : vector<16xf32>
      %parallel_loop3A_385 = arith.addf %parallel_loop3A_377, %parallel_loop3A_378 : vector<16xf32>
      %parallel_loop3A_386 = arith.addf %parallel_loop3A_379, %parallel_loop3A_380 : vector<16xf32>
      %parallel_loop3A_387 = arith.addf %parallel_loop3A_381, %parallel_loop3A_382 : vector<16xf32>
      %parallel_loop3A_388 = arith.addf %parallel_loop3A_383, %parallel_loop3A_384 : vector<16xf32>
      %parallel_loop3A_389 = arith.addf %parallel_loop3A_385, %parallel_loop3A_386 : vector<16xf32>
      %parallel_loop3A_390 = arith.addf %parallel_loop3A_387, %parallel_loop3A_388 : vector<16xf32>
      %parallel_loop3A_391 = arith.addf %parallel_loop3A_389, %parallel_loop3A_390 : vector<16xf32>
      %parallel_loop3A_392 = arith.constant 6.250000e-02 : f32
      %parallel_loop3A_393 = vector.broadcast %parallel_loop3A_392 : f32 to vector<16xf32>
      %parallel_loop3A_394 = arith.mulf %parallel_loop3A_391, %parallel_loop3A_393 : vector<16xf32>
      %parallel_loop3A_395 = arith.index_cast %parallel_loop3A_40 : i32 to index
      %parallel_loop3A_396 = arith.constant 32 : index
      %parallel_loop3A_397 = tpu.vector_load %arg5[%parallel_loop3A_395, %parallel_loop3A_396] {strides = array<i32>} : memref<8x128xf32, #tpu.memory_space<vmem>>, vector<1x16xf32>,
      %parallel_loop3A_398 = vector.shape_cast %parallel_loop3A_397 : vector<1x16xf32> to vector<16xf32>
      %parallel_loop3A_399 = vector.shape_cast %parallel_loop3A_394 : vector<16xf32> to vector<1x16xf32>
      tpu.vector_store %arg5[%parallel_loop3A_395, %parallel_loop3A_396], %parallel_loop3A_399 {strides = array<i32>} : memref<8x128xf32, #tpu.memory_space<vmem>>, vector<1x16xf32>,
      %parallel_loop3A_400 = arith.constant 0 : i32
      %parallel_loop3A_401 = arith.addi %parallel_loop3A_42, %parallel_loop3A_400 : i32
      %parallel_loop3A_402 = arith.index_cast %parallel_loop3A_401 : i32 to index
      %parallel_loop3A_403 = arith.constant 48 : index
      %parallel_loop3A_404 = tpu.vector_load %arg4[%parallel_loop3A_402, %parallel_loop3A_403] {strides = array<i32>} : memref<128x128xf32, #tpu.memory_space<vmem>>, vector<1x16xf32>,
      %parallel_loop3A_405 = vector.shape_cast %parallel_loop3A_404 : vector<1x16xf32> to vector<16xf32>
      %parallel_loop3A_406 = arith.constant 1 : i32
      %parallel_loop3A_407 = arith.addi %parallel_loop3A_42, %parallel_loop3A_406 : i32
      %parallel_loop3A_408 = arith.index_cast %parallel_loop3A_407 : i32 to index
      %parallel_loop3A_409 = arith.constant 48 : index
      %parallel_loop3A_410 = tpu.vector_load %arg4[%parallel_loop3A_408, %parallel_loop3A_409] {strides = array<i32>} : memref<128x128xf32, #tpu.memory_space<vmem>>, vector<1x16xf32>,
      %parallel_loop3A_411 = vector.shape_cast %parallel_loop3A_410 : vector<1x16xf32> to vector<16xf32>
      %parallel_loop3A_412 = arith.constant 2 : i32
      %parallel_loop3A_413 = arith.addi %parallel_loop3A_42, %parallel_loop3A_412 : i32
      %parallel_loop3A_414 = arith.index_cast %parallel_loop3A_413 : i32 to index
      %parallel_loop3A_415 = arith.constant 48 : index
      %parallel_loop3A_416 = tpu.vector_load %arg4[%parallel_loop3A_414, %parallel_loop3A_415] {strides = array<i32>} : memref<128x128xf32, #tpu.memory_space<vmem>>, vector<1x16xf32>,
      %parallel_loop3A_417 = vector.shape_cast %parallel_loop3A_416 : vector<1x16xf32> to vector<16xf32>
      %parallel_loop3A_418 = arith.constant 3 : i32
      %parallel_loop3A_419 = arith.addi %parallel_loop3A_42, %parallel_loop3A_418 : i32
      %parallel_loop3A_420 = arith.index_cast %parallel_loop3A_419 : i32 to index
      %parallel_loop3A_421 = arith.constant 48 : index
      %parallel_loop3A_422 = tpu.vector_load %arg4[%parallel_loop3A_420, %parallel_loop3A_421] {strides = array<i32>} : memref<128x128xf32, #tpu.memory_space<vmem>>, vector<1x16xf32>,
      %parallel_loop3A_423 = vector.shape_cast %parallel_loop3A_422 : vector<1x16xf32> to vector<16xf32>
      %parallel_loop3A_424 = arith.constant 4 : i32
      %parallel_loop3A_425 = arith.addi %parallel_loop3A_42, %parallel_loop3A_424 : i32
      %parallel_loop3A_426 = arith.index_cast %parallel_loop3A_425 : i32 to index
      %parallel_loop3A_427 = arith.constant 48 : index
      %parallel_loop3A_428 = tpu.vector_load %arg4[%parallel_loop3A_426, %parallel_loop3A_427] {strides = array<i32>} : memref<128x128xf32, #tpu.memory_space<vmem>>, vector<1x16xf32>,
      %parallel_loop3A_429 = vector.shape_cast %parallel_loop3A_428 : vector<1x16xf32> to vector<16xf32>
      %parallel_loop3A_430 = arith.constant 5 : i32
      %parallel_loop3A_431 = arith.addi %parallel_loop3A_42, %parallel_loop3A_430 : i32
      %parallel_loop3A_432 = arith.index_cast %parallel_loop3A_431 : i32 to index
      %parallel_loop3A_433 = arith.constant 48 : index
      %parallel_loop3A_434 = tpu.vector_load %arg4[%parallel_loop3A_432, %parallel_loop3A_433] {strides = array<i32>} : memref<128x128xf32, #tpu.memory_space<vmem>>, vector<1x16xf32>,
      %parallel_loop3A_435 = vector.shape_cast %parallel_loop3A_434 : vector<1x16xf32> to vector<16xf32>
      %parallel_loop3A_436 = arith.constant 6 : i32
      %parallel_loop3A_437 = arith.addi %parallel_loop3A_42, %parallel_loop3A_436 : i32
      %parallel_loop3A_438 = arith.index_cast %parallel_loop3A_437 : i32 to index
      %parallel_loop3A_439 = arith.constant 48 : index
      %parallel_loop3A_440 = tpu.vector_load %arg4[%parallel_loop3A_438, %parallel_loop3A_439] {strides = array<i32>} : memref<128x128xf32, #tpu.memory_space<vmem>>, vector<1x16xf32>,
      %parallel_loop3A_441 = vector.shape_cast %parallel_loop3A_440 : vector<1x16xf32> to vector<16xf32>
      %parallel_loop3A_442 = arith.constant 7 : i32
      %parallel_loop3A_443 = arith.addi %parallel_loop3A_42, %parallel_loop3A_442 : i32
      %parallel_loop3A_444 = arith.index_cast %parallel_loop3A_443 : i32 to index
      %parallel_loop3A_445 = arith.constant 48 : index
      %parallel_loop3A_446 = tpu.vector_load %arg4[%parallel_loop3A_444, %parallel_loop3A_445] {strides = array<i32>} : memref<128x128xf32, #tpu.memory_space<vmem>>, vector<1x16xf32>,
      %parallel_loop3A_447 = vector.shape_cast %parallel_loop3A_446 : vector<1x16xf32> to vector<16xf32>
      %parallel_loop3A_448 = arith.constant 8 : i32
      %parallel_loop3A_449 = arith.addi %parallel_loop3A_42, %parallel_loop3A_448 : i32
      %parallel_loop3A_450 = arith.index_cast %parallel_loop3A_449 : i32 to index
      %parallel_loop3A_451 = arith.constant 48 : index
      %parallel_loop3A_452 = tpu.vector_load %arg4[%parallel_loop3A_450, %parallel_loop3A_451] {strides = array<i32>} : memref<128x128xf32, #tpu.memory_space<vmem>>, vector<1x16xf32>,
      %parallel_loop3A_453 = vector.shape_cast %parallel_loop3A_452 : vector<1x16xf32> to vector<16xf32>
      %parallel_loop3A_454 = arith.constant 9 : i32
      %parallel_loop3A_455 = arith.addi %parallel_loop3A_42, %parallel_loop3A_454 : i32
      %parallel_loop3A_456 = arith.index_cast %parallel_loop3A_455 : i32 to index
      %parallel_loop3A_457 = arith.constant 48 : index
      %parallel_loop3A_458 = tpu.vector_load %arg4[%parallel_loop3A_456, %parallel_loop3A_457] {strides = array<i32>} : memref<128x128xf32, #tpu.memory_space<vmem>>, vector<1x16xf32>,
      %parallel_loop3A_459 = vector.shape_cast %parallel_loop3A_458 : vector<1x16xf32> to vector<16xf32>
      %parallel_loop3A_460 = arith.constant 10 : i32
      %parallel_loop3A_461 = arith.addi %parallel_loop3A_42, %parallel_loop3A_460 : i32
      %parallel_loop3A_462 = arith.index_cast %parallel_loop3A_461 : i32 to index
      %parallel_loop3A_463 = arith.constant 48 : index
      %parallel_loop3A_464 = tpu.vector_load %arg4[%parallel_loop3A_462, %parallel_loop3A_463] {strides = array<i32>} : memref<128x128xf32, #tpu.memory_space<vmem>>, vector<1x16xf32>,
      %parallel_loop3A_465 = vector.shape_cast %parallel_loop3A_464 : vector<1x16xf32> to vector<16xf32>
      %parallel_loop3A_466 = arith.constant 11 : i32
      %parallel_loop3A_467 = arith.addi %parallel_loop3A_42, %parallel_loop3A_466 : i32
      %parallel_loop3A_468 = arith.index_cast %parallel_loop3A_467 : i32 to index
      %parallel_loop3A_469 = arith.constant 48 : index
      %parallel_loop3A_470 = tpu.vector_load %arg4[%parallel_loop3A_468, %parallel_loop3A_469] {strides = array<i32>} : memref<128x128xf32, #tpu.memory_space<vmem>>, vector<1x16xf32>,
      %parallel_loop3A_471 = vector.shape_cast %parallel_loop3A_470 : vector<1x16xf32> to vector<16xf32>
      %parallel_loop3A_472 = arith.constant 12 : i32
      %parallel_loop3A_473 = arith.addi %parallel_loop3A_42, %parallel_loop3A_472 : i32
      %parallel_loop3A_474 = arith.index_cast %parallel_loop3A_473 : i32 to index
      %parallel_loop3A_475 = arith.constant 48 : index
      %parallel_loop3A_476 = tpu.vector_load %arg4[%parallel_loop3A_474, %parallel_loop3A_475] {strides = array<i32>} : memref<128x128xf32, #tpu.memory_space<vmem>>, vector<1x16xf32>,
      %parallel_loop3A_477 = vector.shape_cast %parallel_loop3A_476 : vector<1x16xf32> to vector<16xf32>
      %parallel_loop3A_478 = arith.constant 13 : i32
      %parallel_loop3A_479 = arith.addi %parallel_loop3A_42, %parallel_loop3A_478 : i32
      %parallel_loop3A_480 = arith.index_cast %parallel_loop3A_479 : i32 to index
      %parallel_loop3A_481 = arith.constant 48 : index
      %parallel_loop3A_482 = tpu.vector_load %arg4[%parallel_loop3A_480, %parallel_loop3A_481] {strides = array<i32>} : memref<128x128xf32, #tpu.memory_space<vmem>>, vector<1x16xf32>,
      %parallel_loop3A_483 = vector.shape_cast %parallel_loop3A_482 : vector<1x16xf32> to vector<16xf32>
      %parallel_loop3A_484 = arith.constant 14 : i32
      %parallel_loop3A_485 = arith.addi %parallel_loop3A_42, %parallel_loop3A_484 : i32
      %parallel_loop3A_486 = arith.index_cast %parallel_loop3A_485 : i32 to index
      %parallel_loop3A_487 = arith.constant 48 : index
      %parallel_loop3A_488 = tpu.vector_load %arg4[%parallel_loop3A_486, %parallel_loop3A_487] {strides = array<i32>} : memref<128x128xf32, #tpu.memory_space<vmem>>, vector<1x16xf32>,
      %parallel_loop3A_489 = vector.shape_cast %parallel_loop3A_488 : vector<1x16xf32> to vector<16xf32>
      %parallel_loop3A_490 = arith.constant 15 : i32
      %parallel_loop3A_491 = arith.addi %parallel_loop3A_42, %parallel_loop3A_490 : i32
      %parallel_loop3A_492 = arith.index_cast %parallel_loop3A_491 : i32 to index
      %parallel_loop3A_493 = arith.constant 48 : index
      %parallel_loop3A_494 = tpu.vector_load %arg4[%parallel_loop3A_492, %parallel_loop3A_493] {strides = array<i32>} : memref<128x128xf32, #tpu.memory_space<vmem>>, vector<1x16xf32>,
      %parallel_loop3A_495 = vector.shape_cast %parallel_loop3A_494 : vector<1x16xf32> to vector<16xf32>
      %parallel_loop3A_496 = arith.addf %parallel_loop3A_405, %parallel_loop3A_411 : vector<16xf32>
      %parallel_loop3A_497 = arith.addf %parallel_loop3A_417, %parallel_loop3A_423 : vector<16xf32>
      %parallel_loop3A_498 = arith.addf %parallel_loop3A_429, %parallel_loop3A_435 : vector<16xf32>
      %parallel_loop3A_499 = arith.addf %parallel_loop3A_441, %parallel_loop3A_447 : vector<16xf32>
      %parallel_loop3A_500 = arith.addf %parallel_loop3A_453, %parallel_loop3A_459 : vector<16xf32>
      %parallel_loop3A_501 = arith.addf %parallel_loop3A_465, %parallel_loop3A_471 : vector<16xf32>
      %parallel_loop3A_502 = arith.addf %parallel_loop3A_477, %parallel_loop3A_483 : vector<16xf32>
      %parallel_loop3A_503 = arith.addf %parallel_loop3A_489, %parallel_loop3A_495 : vector<16xf32>
      %parallel_loop3A_504 = arith.addf %parallel_loop3A_496, %parallel_loop3A_497 : vector<16xf32>
      %parallel_loop3A_505 = arith.addf %parallel_loop3A_498, %parallel_loop3A_499 : vector<16xf32>
      %parallel_loop3A_506 = arith.addf %parallel_loop3A_500, %parallel_loop3A_501 : vector<16xf32>
      %parallel_loop3A_507 = arith.addf %parallel_loop3A_502, %parallel_loop3A_503 : vector<16xf32>
      %parallel_loop3A_508 = arith.addf %parallel_loop3A_504, %parallel_loop3A_505 : vector<16xf32>
      %parallel_loop3A_509 = arith.addf %parallel_loop3A_506, %parallel_loop3A_507 : vector<16xf32>
      %parallel_loop3A_510 = arith.addf %parallel_loop3A_508, %parallel_loop3A_509 : vector<16xf32>
      %parallel_loop3A_511 = arith.constant 6.250000e-02 : f32
      %parallel_loop3A_512 = vector.broadcast %parallel_loop3A_511 : f32 to vector<16xf32>
      %parallel_loop3A_513 = arith.mulf %parallel_loop3A_510, %parallel_loop3A_512 : vector<16xf32>
      %parallel_loop3A_514 = arith.index_cast %parallel_loop3A_40 : i32 to index
      %parallel_loop3A_515 = arith.constant 48 : index
      %parallel_loop3A_516 = tpu.vector_load %arg5[%parallel_loop3A_514, %parallel_loop3A_515] {strides = array<i32>} : memref<8x128xf32, #tpu.memory_space<vmem>>, vector<1x16xf32>,
      %parallel_loop3A_517 = vector.shape_cast %parallel_loop3A_516 : vector<1x16xf32> to vector<16xf32>
      %parallel_loop3A_518 = vector.shape_cast %parallel_loop3A_513 : vector<16xf32> to vector<1x16xf32>
      tpu.vector_store %arg5[%parallel_loop3A_514, %parallel_loop3A_515], %parallel_loop3A_518 {strides = array<i32>} : memref<8x128xf32, #tpu.memory_space<vmem>>, vector<1x16xf32>,
      %parallel_loop3A_519 = arith.constant 0 : i32
      %parallel_loop3A_520 = arith.addi %parallel_loop3A_42, %parallel_loop3A_519 : i32
      %parallel_loop3A_521 = arith.index_cast %parallel_loop3A_520 : i32 to index
      %parallel_loop3A_522 = arith.constant 64 : index
      %parallel_loop3A_523 = tpu.vector_load %arg4[%parallel_loop3A_521, %parallel_loop3A_522] {strides = array<i32>} : memref<128x128xf32, #tpu.memory_space<vmem>>, vector<1x16xf32>,
      %parallel_loop3A_524 = vector.shape_cast %parallel_loop3A_523 : vector<1x16xf32> to vector<16xf32>
      %parallel_loop3A_525 = arith.constant 1 : i32
      %parallel_loop3A_526 = arith.addi %parallel_loop3A_42, %parallel_loop3A_525 : i32
      %parallel_loop3A_527 = arith.index_cast %parallel_loop3A_526 : i32 to index
      %parallel_loop3A_528 = arith.constant 64 : index
      %parallel_loop3A_529 = tpu.vector_load %arg4[%parallel_loop3A_527, %parallel_loop3A_528] {strides = array<i32>} : memref<128x128xf32, #tpu.memory_space<vmem>>, vector<1x16xf32>,
      %parallel_loop3A_530 = vector.shape_cast %parallel_loop3A_529 : vector<1x16xf32> to vector<16xf32>
      %parallel_loop3A_531 = arith.constant 2 : i32
      %parallel_loop3A_532 = arith.addi %parallel_loop3A_42, %parallel_loop3A_531 : i32
      %parallel_loop3A_533 = arith.index_cast %parallel_loop3A_532 : i32 to index
      %parallel_loop3A_534 = arith.constant 64 : index
      %parallel_loop3A_535 = tpu.vector_load %arg4[%parallel_loop3A_533, %parallel_loop3A_534] {strides = array<i32>} : memref<128x128xf32, #tpu.memory_space<vmem>>, vector<1x16xf32>,
      %parallel_loop3A_536 = vector.shape_cast %parallel_loop3A_535 : vector<1x16xf32> to vector<16xf32>
      %parallel_loop3A_537 = arith.constant 3 : i32
      %parallel_loop3A_538 = arith.addi %parallel_loop3A_42, %parallel_loop3A_537 : i32
      %parallel_loop3A_539 = arith.index_cast %parallel_loop3A_538 : i32 to index
      %parallel_loop3A_540 = arith.constant 64 : index
      %parallel_loop3A_541 = tpu.vector_load %arg4[%parallel_loop3A_539, %parallel_loop3A_540] {strides = array<i32>} : memref<128x128xf32, #tpu.memory_space<vmem>>, vector<1x16xf32>,
      %parallel_loop3A_542 = vector.shape_cast %parallel_loop3A_541 : vector<1x16xf32> to vector<16xf32>
      %parallel_loop3A_543 = arith.constant 4 : i32
      %parallel_loop3A_544 = arith.addi %parallel_loop3A_42, %parallel_loop3A_543 : i32
      %parallel_loop3A_545 = arith.index_cast %parallel_loop3A_544 : i32 to index
      %parallel_loop3A_546 = arith.constant 64 : index
      %parallel_loop3A_547 = tpu.vector_load %arg4[%parallel_loop3A_545, %parallel_loop3A_546] {strides = array<i32>} : memref<128x128xf32, #tpu.memory_space<vmem>>, vector<1x16xf32>,
      %parallel_loop3A_548 = vector.shape_cast %parallel_loop3A_547 : vector<1x16xf32> to vector<16xf32>
      %parallel_loop3A_549 = arith.constant 5 : i32
      %parallel_loop3A_550 = arith.addi %parallel_loop3A_42, %parallel_loop3A_549 : i32
      %parallel_loop3A_551 = arith.index_cast %parallel_loop3A_550 : i32 to index
      %parallel_loop3A_552 = arith.constant 64 : index
      %parallel_loop3A_553 = tpu.vector_load %arg4[%parallel_loop3A_551, %parallel_loop3A_552] {strides = array<i32>} : memref<128x128xf32, #tpu.memory_space<vmem>>, vector<1x16xf32>,
      %parallel_loop3A_554 = vector.shape_cast %parallel_loop3A_553 : vector<1x16xf32> to vector<16xf32>
      %parallel_loop3A_555 = arith.constant 6 : i32
      %parallel_loop3A_556 = arith.addi %parallel_loop3A_42, %parallel_loop3A_555 : i32
      %parallel_loop3A_557 = arith.index_cast %parallel_loop3A_556 : i32 to index
      %parallel_loop3A_558 = arith.constant 64 : index
      %parallel_loop3A_559 = tpu.vector_load %arg4[%parallel_loop3A_557, %parallel_loop3A_558] {strides = array<i32>} : memref<128x128xf32, #tpu.memory_space<vmem>>, vector<1x16xf32>,
      %parallel_loop3A_560 = vector.shape_cast %parallel_loop3A_559 : vector<1x16xf32> to vector<16xf32>
      %parallel_loop3A_561 = arith.constant 7 : i32
      %parallel_loop3A_562 = arith.addi %parallel_loop3A_42, %parallel_loop3A_561 : i32
      %parallel_loop3A_563 = arith.index_cast %parallel_loop3A_562 : i32 to index
      %parallel_loop3A_564 = arith.constant 64 : index
      %parallel_loop3A_565 = tpu.vector_load %arg4[%parallel_loop3A_563, %parallel_loop3A_564] {strides = array<i32>} : memref<128x128xf32, #tpu.memory_space<vmem>>, vector<1x16xf32>,
      %parallel_loop3A_566 = vector.shape_cast %parallel_loop3A_565 : vector<1x16xf32> to vector<16xf32>
      %parallel_loop3A_567 = arith.constant 8 : i32
      %parallel_loop3A_568 = arith.addi %parallel_loop3A_42, %parallel_loop3A_567 : i32
      %parallel_loop3A_569 = arith.index_cast %parallel_loop3A_568 : i32 to index
      %parallel_loop3A_570 = arith.constant 64 : index
      %parallel_loop3A_571 = tpu.vector_load %arg4[%parallel_loop3A_569, %parallel_loop3A_570] {strides = array<i32>} : memref<128x128xf32, #tpu.memory_space<vmem>>, vector<1x16xf32>,
      %parallel_loop3A_572 = vector.shape_cast %parallel_loop3A_571 : vector<1x16xf32> to vector<16xf32>
      %parallel_loop3A_573 = arith.constant 9 : i32
      %parallel_loop3A_574 = arith.addi %parallel_loop3A_42, %parallel_loop3A_573 : i32
      %parallel_loop3A_575 = arith.index_cast %parallel_loop3A_574 : i32 to index
      %parallel_loop3A_576 = arith.constant 64 : index
      %parallel_loop3A_577 = tpu.vector_load %arg4[%parallel_loop3A_575, %parallel_loop3A_576] {strides = array<i32>} : memref<128x128xf32, #tpu.memory_space<vmem>>, vector<1x16xf32>,
      %parallel_loop3A_578 = vector.shape_cast %parallel_loop3A_577 : vector<1x16xf32> to vector<16xf32>
      %parallel_loop3A_579 = arith.constant 10 : i32
      %parallel_loop3A_580 = arith.addi %parallel_loop3A_42, %parallel_loop3A_579 : i32
      %parallel_loop3A_581 = arith.index_cast %parallel_loop3A_580 : i32 to index
      %parallel_loop3A_582 = arith.constant 64 : index
      %parallel_loop3A_583 = tpu.vector_load %arg4[%parallel_loop3A_581, %parallel_loop3A_582] {strides = array<i32>} : memref<128x128xf32, #tpu.memory_space<vmem>>, vector<1x16xf32>,
      %parallel_loop3A_584 = vector.shape_cast %parallel_loop3A_583 : vector<1x16xf32> to vector<16xf32>
      %parallel_loop3A_585 = arith.constant 11 : i32
      %parallel_loop3A_586 = arith.addi %parallel_loop3A_42, %parallel_loop3A_585 : i32
      %parallel_loop3A_587 = arith.index_cast %parallel_loop3A_586 : i32 to index
      %parallel_loop3A_588 = arith.constant 64 : index
      %parallel_loop3A_589 = tpu.vector_load %arg4[%parallel_loop3A_587, %parallel_loop3A_588] {strides = array<i32>} : memref<128x128xf32, #tpu.memory_space<vmem>>, vector<1x16xf32>,
      %parallel_loop3A_590 = vector.shape_cast %parallel_loop3A_589 : vector<1x16xf32> to vector<16xf32>
      %parallel_loop3A_591 = arith.constant 12 : i32
      %parallel_loop3A_592 = arith.addi %parallel_loop3A_42, %parallel_loop3A_591 : i32
      %parallel_loop3A_593 = arith.index_cast %parallel_loop3A_592 : i32 to index
      %parallel_loop3A_594 = arith.constant 64 : index
      %parallel_loop3A_595 = tpu.vector_load %arg4[%parallel_loop3A_593, %parallel_loop3A_594] {strides = array<i32>} : memref<128x128xf32, #tpu.memory_space<vmem>>, vector<1x16xf32>,
      %parallel_loop3A_596 = vector.shape_cast %parallel_loop3A_595 : vector<1x16xf32> to vector<16xf32>
      %parallel_loop3A_597 = arith.constant 13 : i32
      %parallel_loop3A_598 = arith.addi %parallel_loop3A_42, %parallel_loop3A_597 : i32
      %parallel_loop3A_599 = arith.index_cast %parallel_loop3A_598 : i32 to index
      %parallel_loop3A_600 = arith.constant 64 : index
      %parallel_loop3A_601 = tpu.vector_load %arg4[%parallel_loop3A_599, %parallel_loop3A_600] {strides = array<i32>} : memref<128x128xf32, #tpu.memory_space<vmem>>, vector<1x16xf32>,
      %parallel_loop3A_602 = vector.shape_cast %parallel_loop3A_601 : vector<1x16xf32> to vector<16xf32>
      %parallel_loop3A_603 = arith.constant 14 : i32
      %parallel_loop3A_604 = arith.addi %parallel_loop3A_42, %parallel_loop3A_603 : i32
      %parallel_loop3A_605 = arith.index_cast %parallel_loop3A_604 : i32 to index
      %parallel_loop3A_606 = arith.constant 64 : index
      %parallel_loop3A_607 = tpu.vector_load %arg4[%parallel_loop3A_605, %parallel_loop3A_606] {strides = array<i32>} : memref<128x128xf32, #tpu.memory_space<vmem>>, vector<1x16xf32>,
      %parallel_loop3A_608 = vector.shape_cast %parallel_loop3A_607 : vector<1x16xf32> to vector<16xf32>
      %parallel_loop3A_609 = arith.constant 15 : i32
      %parallel_loop3A_610 = arith.addi %parallel_loop3A_42, %parallel_loop3A_609 : i32
      %parallel_loop3A_611 = arith.index_cast %parallel_loop3A_610 : i32 to index
      %parallel_loop3A_612 = arith.constant 64 : index
      %parallel_loop3A_613 = tpu.vector_load %arg4[%parallel_loop3A_611, %parallel_loop3A_612] {strides = array<i32>} : memref<128x128xf32, #tpu.memory_space<vmem>>, vector<1x16xf32>,
      %parallel_loop3A_614 = vector.shape_cast %parallel_loop3A_613 : vector<1x16xf32> to vector<16xf32>
      %parallel_loop3A_615 = arith.addf %parallel_loop3A_524, %parallel_loop3A_530 : vector<16xf32>
      %parallel_loop3A_616 = arith.addf %parallel_loop3A_536, %parallel_loop3A_542 : vector<16xf32>
      %parallel_loop3A_617 = arith.addf %parallel_loop3A_548, %parallel_loop3A_554 : vector<16xf32>
      %parallel_loop3A_618 = arith.addf %parallel_loop3A_560, %parallel_loop3A_566 : vector<16xf32>
      %parallel_loop3A_619 = arith.addf %parallel_loop3A_572, %parallel_loop3A_578 : vector<16xf32>
      %parallel_loop3A_620 = arith.addf %parallel_loop3A_584, %parallel_loop3A_590 : vector<16xf32>
      %parallel_loop3A_621 = arith.addf %parallel_loop3A_596, %parallel_loop3A_602 : vector<16xf32>
      %parallel_loop3A_622 = arith.addf %parallel_loop3A_608, %parallel_loop3A_614 : vector<16xf32>
      %parallel_loop3A_623 = arith.addf %parallel_loop3A_615, %parallel_loop3A_616 : vector<16xf32>
      %parallel_loop3A_624 = arith.addf %parallel_loop3A_617, %parallel_loop3A_618 : vector<16xf32>
      %parallel_loop3A_625 = arith.addf %parallel_loop3A_619, %parallel_loop3A_620 : vector<16xf32>
      %parallel_loop3A_626 = arith.addf %parallel_loop3A_621, %parallel_loop3A_622 : vector<16xf32>
      %parallel_loop3A_627 = arith.addf %parallel_loop3A_623, %parallel_loop3A_624 : vector<16xf32>
      %parallel_loop3A_628 = arith.addf %parallel_loop3A_625, %parallel_loop3A_626 : vector<16xf32>
      %parallel_loop3A_629 = arith.addf %parallel_loop3A_627, %parallel_loop3A_628 : vector<16xf32>
      %parallel_loop3A_630 = arith.constant 6.250000e-02 : f32
      %parallel_loop3A_631 = vector.broadcast %parallel_loop3A_630 : f32 to vector<16xf32>
      %parallel_loop3A_632 = arith.mulf %parallel_loop3A_629, %parallel_loop3A_631 : vector<16xf32>
      %parallel_loop3A_633 = arith.index_cast %parallel_loop3A_40 : i32 to index
      %parallel_loop3A_634 = arith.constant 64 : index
      %parallel_loop3A_635 = tpu.vector_load %arg5[%parallel_loop3A_633, %parallel_loop3A_634] {strides = array<i32>} : memref<8x128xf32, #tpu.memory_space<vmem>>, vector<1x16xf32>,
      %parallel_loop3A_636 = vector.shape_cast %parallel_loop3A_635 : vector<1x16xf32> to vector<16xf32>
      %parallel_loop3A_637 = vector.shape_cast %parallel_loop3A_632 : vector<16xf32> to vector<1x16xf32>
      tpu.vector_store %arg5[%parallel_loop3A_633, %parallel_loop3A_634], %parallel_loop3A_637 {strides = array<i32>} : memref<8x128xf32, #tpu.memory_space<vmem>>, vector<1x16xf32>,
      %parallel_loop3A_638 = arith.constant 0 : i32
      %parallel_loop3A_639 = arith.addi %parallel_loop3A_42, %parallel_loop3A_638 : i32
      %parallel_loop3A_640 = arith.index_cast %parallel_loop3A_639 : i32 to index
      %parallel_loop3A_641 = arith.constant 80 : index
      %parallel_loop3A_642 = tpu.vector_load %arg4[%parallel_loop3A_640, %parallel_loop3A_641] {strides = array<i32>} : memref<128x128xf32, #tpu.memory_space<vmem>>, vector<1x16xf32>,
      %parallel_loop3A_643 = vector.shape_cast %parallel_loop3A_642 : vector<1x16xf32> to vector<16xf32>
      %parallel_loop3A_644 = arith.constant 1 : i32
      %parallel_loop3A_645 = arith.addi %parallel_loop3A_42, %parallel_loop3A_644 : i32
      %parallel_loop3A_646 = arith.index_cast %parallel_loop3A_645 : i32 to index
      %parallel_loop3A_647 = arith.constant 80 : index
      %parallel_loop3A_648 = tpu.vector_load %arg4[%parallel_loop3A_646, %parallel_loop3A_647] {strides = array<i32>} : memref<128x128xf32, #tpu.memory_space<vmem>>, vector<1x16xf32>,
      %parallel_loop3A_649 = vector.shape_cast %parallel_loop3A_648 : vector<1x16xf32> to vector<16xf32>
      %parallel_loop3A_650 = arith.constant 2 : i32
      %parallel_loop3A_651 = arith.addi %parallel_loop3A_42, %parallel_loop3A_650 : i32
      %parallel_loop3A_652 = arith.index_cast %parallel_loop3A_651 : i32 to index
      %parallel_loop3A_653 = arith.constant 80 : index
      %parallel_loop3A_654 = tpu.vector_load %arg4[%parallel_loop3A_652, %parallel_loop3A_653] {strides = array<i32>} : memref<128x128xf32, #tpu.memory_space<vmem>>, vector<1x16xf32>,
      %parallel_loop3A_655 = vector.shape_cast %parallel_loop3A_654 : vector<1x16xf32> to vector<16xf32>
      %parallel_loop3A_656 = arith.constant 3 : i32
      %parallel_loop3A_657 = arith.addi %parallel_loop3A_42, %parallel_loop3A_656 : i32
      %parallel_loop3A_658 = arith.index_cast %parallel_loop3A_657 : i32 to index
      %parallel_loop3A_659 = arith.constant 80 : index
      %parallel_loop3A_660 = tpu.vector_load %arg4[%parallel_loop3A_658, %parallel_loop3A_659] {strides = array<i32>} : memref<128x128xf32, #tpu.memory_space<vmem>>, vector<1x16xf32>,
      %parallel_loop3A_661 = vector.shape_cast %parallel_loop3A_660 : vector<1x16xf32> to vector<16xf32>
      %parallel_loop3A_662 = arith.constant 4 : i32
      %parallel_loop3A_663 = arith.addi %parallel_loop3A_42, %parallel_loop3A_662 : i32
      %parallel_loop3A_664 = arith.index_cast %parallel_loop3A_663 : i32 to index
      %parallel_loop3A_665 = arith.constant 80 : index
      %parallel_loop3A_666 = tpu.vector_load %arg4[%parallel_loop3A_664, %parallel_loop3A_665] {strides = array<i32>} : memref<128x128xf32, #tpu.memory_space<vmem>>, vector<1x16xf32>,
      %parallel_loop3A_667 = vector.shape_cast %parallel_loop3A_666 : vector<1x16xf32> to vector<16xf32>
      %parallel_loop3A_668 = arith.constant 5 : i32
      %parallel_loop3A_669 = arith.addi %parallel_loop3A_42, %parallel_loop3A_668 : i32
      %parallel_loop3A_670 = arith.index_cast %parallel_loop3A_669 : i32 to index
      %parallel_loop3A_671 = arith.constant 80 : index
      %parallel_loop3A_672 = tpu.vector_load %arg4[%parallel_loop3A_670, %parallel_loop3A_671] {strides = array<i32>} : memref<128x128xf32, #tpu.memory_space<vmem>>, vector<1x16xf32>,
      %parallel_loop3A_673 = vector.shape_cast %parallel_loop3A_672 : vector<1x16xf32> to vector<16xf32>
      %parallel_loop3A_674 = arith.constant 6 : i32
      %parallel_loop3A_675 = arith.addi %parallel_loop3A_42, %parallel_loop3A_674 : i32
      %parallel_loop3A_676 = arith.index_cast %parallel_loop3A_675 : i32 to index
      %parallel_loop3A_677 = arith.constant 80 : index
      %parallel_loop3A_678 = tpu.vector_load %arg4[%parallel_loop3A_676, %parallel_loop3A_677] {strides = array<i32>} : memref<128x128xf32, #tpu.memory_space<vmem>>, vector<1x16xf32>,
      %parallel_loop3A_679 = vector.shape_cast %parallel_loop3A_678 : vector<1x16xf32> to vector<16xf32>
      %parallel_loop3A_680 = arith.constant 7 : i32
      %parallel_loop3A_681 = arith.addi %parallel_loop3A_42, %parallel_loop3A_680 : i32
      %parallel_loop3A_682 = arith.index_cast %parallel_loop3A_681 : i32 to index
      %parallel_loop3A_683 = arith.constant 80 : index
      %parallel_loop3A_684 = tpu.vector_load %arg4[%parallel_loop3A_682, %parallel_loop3A_683] {strides = array<i32>} : memref<128x128xf32, #tpu.memory_space<vmem>>, vector<1x16xf32>,
      %parallel_loop3A_685 = vector.shape_cast %parallel_loop3A_684 : vector<1x16xf32> to vector<16xf32>
      %parallel_loop3A_686 = arith.constant 8 : i32
      %parallel_loop3A_687 = arith.addi %parallel_loop3A_42, %parallel_loop3A_686 : i32
      %parallel_loop3A_688 = arith.index_cast %parallel_loop3A_687 : i32 to index
      %parallel_loop3A_689 = arith.constant 80 : index
      %parallel_loop3A_690 = tpu.vector_load %arg4[%parallel_loop3A_688, %parallel_loop3A_689] {strides = array<i32>} : memref<128x128xf32, #tpu.memory_space<vmem>>, vector<1x16xf32>,
      %parallel_loop3A_691 = vector.shape_cast %parallel_loop3A_690 : vector<1x16xf32> to vector<16xf32>
      %parallel_loop3A_692 = arith.constant 9 : i32
      %parallel_loop3A_693 = arith.addi %parallel_loop3A_42, %parallel_loop3A_692 : i32
      %parallel_loop3A_694 = arith.index_cast %parallel_loop3A_693 : i32 to index
      %parallel_loop3A_695 = arith.constant 80 : index
      %parallel_loop3A_696 = tpu.vector_load %arg4[%parallel_loop3A_694, %parallel_loop3A_695] {strides = array<i32>} : memref<128x128xf32, #tpu.memory_space<vmem>>, vector<1x16xf32>,
      %parallel_loop3A_697 = vector.shape_cast %parallel_loop3A_696 : vector<1x16xf32> to vector<16xf32>
      %parallel_loop3A_698 = arith.constant 10 : i32
      %parallel_loop3A_699 = arith.addi %parallel_loop3A_42, %parallel_loop3A_698 : i32
      %parallel_loop3A_700 = arith.index_cast %parallel_loop3A_699 : i32 to index
      %parallel_loop3A_701 = arith.constant 80 : index
      %parallel_loop3A_702 = tpu.vector_load %arg4[%parallel_loop3A_700, %parallel_loop3A_701] {strides = array<i32>} : memref<128x128xf32, #tpu.memory_space<vmem>>, vector<1x16xf32>,
      %parallel_loop3A_703 = vector.shape_cast %parallel_loop3A_702 : vector<1x16xf32> to vector<16xf32>
      %parallel_loop3A_704 = arith.constant 11 : i32
      %parallel_loop3A_705 = arith.addi %parallel_loop3A_42, %parallel_loop3A_704 : i32
      %parallel_loop3A_706 = arith.index_cast %parallel_loop3A_705 : i32 to index
      %parallel_loop3A_707 = arith.constant 80 : index
      %parallel_loop3A_708 = tpu.vector_load %arg4[%parallel_loop3A_706, %parallel_loop3A_707] {strides = array<i32>} : memref<128x128xf32, #tpu.memory_space<vmem>>, vector<1x16xf32>,
      %parallel_loop3A_709 = vector.shape_cast %parallel_loop3A_708 : vector<1x16xf32> to vector<16xf32>
      %parallel_loop3A_710 = arith.constant 12 : i32
      %parallel_loop3A_711 = arith.addi %parallel_loop3A_42, %parallel_loop3A_710 : i32
      %parallel_loop3A_712 = arith.index_cast %parallel_loop3A_711 : i32 to index
      %parallel_loop3A_713 = arith.constant 80 : index
      %parallel_loop3A_714 = tpu.vector_load %arg4[%parallel_loop3A_712, %parallel_loop3A_713] {strides = array<i32>} : memref<128x128xf32, #tpu.memory_space<vmem>>, vector<1x16xf32>,
      %parallel_loop3A_715 = vector.shape_cast %parallel_loop3A_714 : vector<1x16xf32> to vector<16xf32>
      %parallel_loop3A_716 = arith.constant 13 : i32
      %parallel_loop3A_717 = arith.addi %parallel_loop3A_42, %parallel_loop3A_716 : i32
      %parallel_loop3A_718 = arith.index_cast %parallel_loop3A_717 : i32 to index
      %parallel_loop3A_719 = arith.constant 80 : index
      %parallel_loop3A_720 = tpu.vector_load %arg4[%parallel_loop3A_718, %parallel_loop3A_719] {strides = array<i32>} : memref<128x128xf32, #tpu.memory_space<vmem>>, vector<1x16xf32>,
      %parallel_loop3A_721 = vector.shape_cast %parallel_loop3A_720 : vector<1x16xf32> to vector<16xf32>
      %parallel_loop3A_722 = arith.constant 14 : i32
      %parallel_loop3A_723 = arith.addi %parallel_loop3A_42, %parallel_loop3A_722 : i32
      %parallel_loop3A_724 = arith.index_cast %parallel_loop3A_723 : i32 to index
      %parallel_loop3A_725 = arith.constant 80 : index
      %parallel_loop3A_726 = tpu.vector_load %arg4[%parallel_loop3A_724, %parallel_loop3A_725] {strides = array<i32>} : memref<128x128xf32, #tpu.memory_space<vmem>>, vector<1x16xf32>,
      %parallel_loop3A_727 = vector.shape_cast %parallel_loop3A_726 : vector<1x16xf32> to vector<16xf32>
      %parallel_loop3A_728 = arith.constant 15 : i32
      %parallel_loop3A_729 = arith.addi %parallel_loop3A_42, %parallel_loop3A_728 : i32
      %parallel_loop3A_730 = arith.index_cast %parallel_loop3A_729 : i32 to index
      %parallel_loop3A_731 = arith.constant 80 : index
      %parallel_loop3A_732 = tpu.vector_load %arg4[%parallel_loop3A_730, %parallel_loop3A_731] {strides = array<i32>} : memref<128x128xf32, #tpu.memory_space<vmem>>, vector<1x16xf32>,
      %parallel_loop3A_733 = vector.shape_cast %parallel_loop3A_732 : vector<1x16xf32> to vector<16xf32>
      %parallel_loop3A_734 = arith.addf %parallel_loop3A_643, %parallel_loop3A_649 : vector<16xf32>
      %parallel_loop3A_735 = arith.addf %parallel_loop3A_655, %parallel_loop3A_661 : vector<16xf32>
      %parallel_loop3A_736 = arith.addf %parallel_loop3A_667, %parallel_loop3A_673 : vector<16xf32>
      %parallel_loop3A_737 = arith.addf %parallel_loop3A_679, %parallel_loop3A_685 : vector<16xf32>
      %parallel_loop3A_738 = arith.addf %parallel_loop3A_691, %parallel_loop3A_697 : vector<16xf32>
      %parallel_loop3A_739 = arith.addf %parallel_loop3A_703, %parallel_loop3A_709 : vector<16xf32>
      %parallel_loop3A_740 = arith.addf %parallel_loop3A_715, %parallel_loop3A_721 : vector<16xf32>
      %parallel_loop3A_741 = arith.addf %parallel_loop3A_727, %parallel_loop3A_733 : vector<16xf32>
      %parallel_loop3A_742 = arith.addf %parallel_loop3A_734, %parallel_loop3A_735 : vector<16xf32>
      %parallel_loop3A_743 = arith.addf %parallel_loop3A_736, %parallel_loop3A_737 : vector<16xf32>
      %parallel_loop3A_744 = arith.addf %parallel_loop3A_738, %parallel_loop3A_739 : vector<16xf32>
      %parallel_loop3A_745 = arith.addf %parallel_loop3A_740, %parallel_loop3A_741 : vector<16xf32>
      %parallel_loop3A_746 = arith.addf %parallel_loop3A_742, %parallel_loop3A_743 : vector<16xf32>
      %parallel_loop3A_747 = arith.addf %parallel_loop3A_744, %parallel_loop3A_745 : vector<16xf32>
      %parallel_loop3A_748 = arith.addf %parallel_loop3A_746, %parallel_loop3A_747 : vector<16xf32>
      %parallel_loop3A_749 = arith.constant 6.250000e-02 : f32
      %parallel_loop3A_750 = vector.broadcast %parallel_loop3A_749 : f32 to vector<16xf32>
      %parallel_loop3A_751 = arith.mulf %parallel_loop3A_748, %parallel_loop3A_750 : vector<16xf32>
      %parallel_loop3A_752 = arith.index_cast %parallel_loop3A_40 : i32 to index
      %parallel_loop3A_753 = arith.constant 80 : index
      %parallel_loop3A_754 = tpu.vector_load %arg5[%parallel_loop3A_752, %parallel_loop3A_753] {strides = array<i32>} : memref<8x128xf32, #tpu.memory_space<vmem>>, vector<1x16xf32>,
      %parallel_loop3A_755 = vector.shape_cast %parallel_loop3A_754 : vector<1x16xf32> to vector<16xf32>
      %parallel_loop3A_756 = vector.shape_cast %parallel_loop3A_751 : vector<16xf32> to vector<1x16xf32>
      tpu.vector_store %arg5[%parallel_loop3A_752, %parallel_loop3A_753], %parallel_loop3A_756 {strides = array<i32>} : memref<8x128xf32, #tpu.memory_space<vmem>>, vector<1x16xf32>,
      %parallel_loop3A_757 = arith.constant 0 : i32
      %parallel_loop3A_758 = arith.addi %parallel_loop3A_42, %parallel_loop3A_757 : i32
      %parallel_loop3A_759 = arith.index_cast %parallel_loop3A_758 : i32 to index
      %parallel_loop3A_760 = arith.constant 96 : index
      %parallel_loop3A_761 = tpu.vector_load %arg4[%parallel_loop3A_759, %parallel_loop3A_760] {strides = array<i32>} : memref<128x128xf32, #tpu.memory_space<vmem>>, vector<1x16xf32>,
      %parallel_loop3A_762 = vector.shape_cast %parallel_loop3A_761 : vector<1x16xf32> to vector<16xf32>
      %parallel_loop3A_763 = arith.constant 1 : i32
      %parallel_loop3A_764 = arith.addi %parallel_loop3A_42, %parallel_loop3A_763 : i32
      %parallel_loop3A_765 = arith.index_cast %parallel_loop3A_764 : i32 to index
      %parallel_loop3A_766 = arith.constant 96 : index
      %parallel_loop3A_767 = tpu.vector_load %arg4[%parallel_loop3A_765, %parallel_loop3A_766] {strides = array<i32>} : memref<128x128xf32, #tpu.memory_space<vmem>>, vector<1x16xf32>,
      %parallel_loop3A_768 = vector.shape_cast %parallel_loop3A_767 : vector<1x16xf32> to vector<16xf32>
      %parallel_loop3A_769 = arith.constant 2 : i32
      %parallel_loop3A_770 = arith.addi %parallel_loop3A_42, %parallel_loop3A_769 : i32
      %parallel_loop3A_771 = arith.index_cast %parallel_loop3A_770 : i32 to index
      %parallel_loop3A_772 = arith.constant 96 : index
      %parallel_loop3A_773 = tpu.vector_load %arg4[%parallel_loop3A_771, %parallel_loop3A_772] {strides = array<i32>} : memref<128x128xf32, #tpu.memory_space<vmem>>, vector<1x16xf32>,
      %parallel_loop3A_774 = vector.shape_cast %parallel_loop3A_773 : vector<1x16xf32> to vector<16xf32>
      %parallel_loop3A_775 = arith.constant 3 : i32
      %parallel_loop3A_776 = arith.addi %parallel_loop3A_42, %parallel_loop3A_775 : i32
      %parallel_loop3A_777 = arith.index_cast %parallel_loop3A_776 : i32 to index
      %parallel_loop3A_778 = arith.constant 96 : index
      %parallel_loop3A_779 = tpu.vector_load %arg4[%parallel_loop3A_777, %parallel_loop3A_778] {strides = array<i32>} : memref<128x128xf32, #tpu.memory_space<vmem>>, vector<1x16xf32>,
      %parallel_loop3A_780 = vector.shape_cast %parallel_loop3A_779 : vector<1x16xf32> to vector<16xf32>
      %parallel_loop3A_781 = arith.constant 4 : i32
      %parallel_loop3A_782 = arith.addi %parallel_loop3A_42, %parallel_loop3A_781 : i32
      %parallel_loop3A_783 = arith.index_cast %parallel_loop3A_782 : i32 to index
      %parallel_loop3A_784 = arith.constant 96 : index
      %parallel_loop3A_785 = tpu.vector_load %arg4[%parallel_loop3A_783, %parallel_loop3A_784] {strides = array<i32>} : memref<128x128xf32, #tpu.memory_space<vmem>>, vector<1x16xf32>,
      %parallel_loop3A_786 = vector.shape_cast %parallel_loop3A_785 : vector<1x16xf32> to vector<16xf32>
      %parallel_loop3A_787 = arith.constant 5 : i32
      %parallel_loop3A_788 = arith.addi %parallel_loop3A_42, %parallel_loop3A_787 : i32
      %parallel_loop3A_789 = arith.index_cast %parallel_loop3A_788 : i32 to index
      %parallel_loop3A_790 = arith.constant 96 : index
      %parallel_loop3A_791 = tpu.vector_load %arg4[%parallel_loop3A_789, %parallel_loop3A_790] {strides = array<i32>} : memref<128x128xf32, #tpu.memory_space<vmem>>, vector<1x16xf32>,
      %parallel_loop3A_792 = vector.shape_cast %parallel_loop3A_791 : vector<1x16xf32> to vector<16xf32>
      %parallel_loop3A_793 = arith.constant 6 : i32
      %parallel_loop3A_794 = arith.addi %parallel_loop3A_42, %parallel_loop3A_793 : i32
      %parallel_loop3A_795 = arith.index_cast %parallel_loop3A_794 : i32 to index
      %parallel_loop3A_796 = arith.constant 96 : index
      %parallel_loop3A_797 = tpu.vector_load %arg4[%parallel_loop3A_795, %parallel_loop3A_796] {strides = array<i32>} : memref<128x128xf32, #tpu.memory_space<vmem>>, vector<1x16xf32>,
      %parallel_loop3A_798 = vector.shape_cast %parallel_loop3A_797 : vector<1x16xf32> to vector<16xf32>
      %parallel_loop3A_799 = arith.constant 7 : i32
      %parallel_loop3A_800 = arith.addi %parallel_loop3A_42, %parallel_loop3A_799 : i32
      %parallel_loop3A_801 = arith.index_cast %parallel_loop3A_800 : i32 to index
      %parallel_loop3A_802 = arith.constant 96 : index
      %parallel_loop3A_803 = tpu.vector_load %arg4[%parallel_loop3A_801, %parallel_loop3A_802] {strides = array<i32>} : memref<128x128xf32, #tpu.memory_space<vmem>>, vector<1x16xf32>,
      %parallel_loop3A_804 = vector.shape_cast %parallel_loop3A_803 : vector<1x16xf32> to vector<16xf32>
      %parallel_loop3A_805 = arith.constant 8 : i32
      %parallel_loop3A_806 = arith.addi %parallel_loop3A_42, %parallel_loop3A_805 : i32
      %parallel_loop3A_807 = arith.index_cast %parallel_loop3A_806 : i32 to index
      %parallel_loop3A_808 = arith.constant 96 : index
      %parallel_loop3A_809 = tpu.vector_load %arg4[%parallel_loop3A_807, %parallel_loop3A_808] {strides = array<i32>} : memref<128x128xf32, #tpu.memory_space<vmem>>, vector<1x16xf32>,
      %parallel_loop3A_810 = vector.shape_cast %parallel_loop3A_809 : vector<1x16xf32> to vector<16xf32>
      %parallel_loop3A_811 = arith.constant 9 : i32
      %parallel_loop3A_812 = arith.addi %parallel_loop3A_42, %parallel_loop3A_811 : i32
      %parallel_loop3A_813 = arith.index_cast %parallel_loop3A_812 : i32 to index
      %parallel_loop3A_814 = arith.constant 96 : index
      %parallel_loop3A_815 = tpu.vector_load %arg4[%parallel_loop3A_813, %parallel_loop3A_814] {strides = array<i32>} : memref<128x128xf32, #tpu.memory_space<vmem>>, vector<1x16xf32>,
      %parallel_loop3A_816 = vector.shape_cast %parallel_loop3A_815 : vector<1x16xf32> to vector<16xf32>
      %parallel_loop3A_817 = arith.constant 10 : i32
      %parallel_loop3A_818 = arith.addi %parallel_loop3A_42, %parallel_loop3A_817 : i32
      %parallel_loop3A_819 = arith.index_cast %parallel_loop3A_818 : i32 to index
      %parallel_loop3A_820 = arith.constant 96 : index
      %parallel_loop3A_821 = tpu.vector_load %arg4[%parallel_loop3A_819, %parallel_loop3A_820] {strides = array<i32>} : memref<128x128xf32, #tpu.memory_space<vmem>>, vector<1x16xf32>,
      %parallel_loop3A_822 = vector.shape_cast %parallel_loop3A_821 : vector<1x16xf32> to vector<16xf32>
      %parallel_loop3A_823 = arith.constant 11 : i32
      %parallel_loop3A_824 = arith.addi %parallel_loop3A_42, %parallel_loop3A_823 : i32
      %parallel_loop3A_825 = arith.index_cast %parallel_loop3A_824 : i32 to index
      %parallel_loop3A_826 = arith.constant 96 : index
      %parallel_loop3A_827 = tpu.vector_load %arg4[%parallel_loop3A_825, %parallel_loop3A_826] {strides = array<i32>} : memref<128x128xf32, #tpu.memory_space<vmem>>, vector<1x16xf32>,
      %parallel_loop3A_828 = vector.shape_cast %parallel_loop3A_827 : vector<1x16xf32> to vector<16xf32>
      %parallel_loop3A_829 = arith.constant 12 : i32
      %parallel_loop3A_830 = arith.addi %parallel_loop3A_42, %parallel_loop3A_829 : i32
      %parallel_loop3A_831 = arith.index_cast %parallel_loop3A_830 : i32 to index
      %parallel_loop3A_832 = arith.constant 96 : index
      %parallel_loop3A_833 = tpu.vector_load %arg4[%parallel_loop3A_831, %parallel_loop3A_832] {strides = array<i32>} : memref<128x128xf32, #tpu.memory_space<vmem>>, vector<1x16xf32>,
      %parallel_loop3A_834 = vector.shape_cast %parallel_loop3A_833 : vector<1x16xf32> to vector<16xf32>
      %parallel_loop3A_835 = arith.constant 13 : i32
      %parallel_loop3A_836 = arith.addi %parallel_loop3A_42, %parallel_loop3A_835 : i32
      %parallel_loop3A_837 = arith.index_cast %parallel_loop3A_836 : i32 to index
      %parallel_loop3A_838 = arith.constant 96 : index
      %parallel_loop3A_839 = tpu.vector_load %arg4[%parallel_loop3A_837, %parallel_loop3A_838] {strides = array<i32>} : memref<128x128xf32, #tpu.memory_space<vmem>>, vector<1x16xf32>,
      %parallel_loop3A_840 = vector.shape_cast %parallel_loop3A_839 : vector<1x16xf32> to vector<16xf32>
      %parallel_loop3A_841 = arith.constant 14 : i32
      %parallel_loop3A_842 = arith.addi %parallel_loop3A_42, %parallel_loop3A_841 : i32
      %parallel_loop3A_843 = arith.index_cast %parallel_loop3A_842 : i32 to index
      %parallel_loop3A_844 = arith.constant 96 : index
      %parallel_loop3A_845 = tpu.vector_load %arg4[%parallel_loop3A_843, %parallel_loop3A_844] {strides = array<i32>} : memref<128x128xf32, #tpu.memory_space<vmem>>, vector<1x16xf32>,
      %parallel_loop3A_846 = vector.shape_cast %parallel_loop3A_845 : vector<1x16xf32> to vector<16xf32>
      %parallel_loop3A_847 = arith.constant 15 : i32
      %parallel_loop3A_848 = arith.addi %parallel_loop3A_42, %parallel_loop3A_847 : i32
      %parallel_loop3A_849 = arith.index_cast %parallel_loop3A_848 : i32 to index
      %parallel_loop3A_850 = arith.constant 96 : index
      %parallel_loop3A_851 = tpu.vector_load %arg4[%parallel_loop3A_849, %parallel_loop3A_850] {strides = array<i32>} : memref<128x128xf32, #tpu.memory_space<vmem>>, vector<1x16xf32>,
      %parallel_loop3A_852 = vector.shape_cast %parallel_loop3A_851 : vector<1x16xf32> to vector<16xf32>
      %parallel_loop3A_853 = arith.addf %parallel_loop3A_762, %parallel_loop3A_768 : vector<16xf32>
      %parallel_loop3A_854 = arith.addf %parallel_loop3A_774, %parallel_loop3A_780 : vector<16xf32>
      %parallel_loop3A_855 = arith.addf %parallel_loop3A_786, %parallel_loop3A_792 : vector<16xf32>
      %parallel_loop3A_856 = arith.addf %parallel_loop3A_798, %parallel_loop3A_804 : vector<16xf32>
      %parallel_loop3A_857 = arith.addf %parallel_loop3A_810, %parallel_loop3A_816 : vector<16xf32>
      %parallel_loop3A_858 = arith.addf %parallel_loop3A_822, %parallel_loop3A_828 : vector<16xf32>
      %parallel_loop3A_859 = arith.addf %parallel_loop3A_834, %parallel_loop3A_840 : vector<16xf32>
      %parallel_loop3A_860 = arith.addf %parallel_loop3A_846, %parallel_loop3A_852 : vector<16xf32>
      %parallel_loop3A_861 = arith.addf %parallel_loop3A_853, %parallel_loop3A_854 : vector<16xf32>
      %parallel_loop3A_862 = arith.addf %parallel_loop3A_855, %parallel_loop3A_856 : vector<16xf32>
      %parallel_loop3A_863 = arith.addf %parallel_loop3A_857, %parallel_loop3A_858 : vector<16xf32>
      %parallel_loop3A_864 = arith.addf %parallel_loop3A_859, %parallel_loop3A_860 : vector<16xf32>
      %parallel_loop3A_865 = arith.addf %parallel_loop3A_861, %parallel_loop3A_862 : vector<16xf32>
      %parallel_loop3A_866 = arith.addf %parallel_loop3A_863, %parallel_loop3A_864 : vector<16xf32>
      %parallel_loop3A_867 = arith.addf %parallel_loop3A_865, %parallel_loop3A_866 : vector<16xf32>
      %parallel_loop3A_868 = arith.constant 6.250000e-02 : f32
      %parallel_loop3A_869 = vector.broadcast %parallel_loop3A_868 : f32 to vector<16xf32>
      %parallel_loop3A_870 = arith.mulf %parallel_loop3A_867, %parallel_loop3A_869 : vector<16xf32>
      %parallel_loop3A_871 = arith.index_cast %parallel_loop3A_40 : i32 to index
      %parallel_loop3A_872 = arith.constant 96 : index
      %parallel_loop3A_873 = tpu.vector_load %arg5[%parallel_loop3A_871, %parallel_loop3A_872] {strides = array<i32>} : memref<8x128xf32, #tpu.memory_space<vmem>>, vector<1x16xf32>,
      %parallel_loop3A_874 = vector.shape_cast %parallel_loop3A_873 : vector<1x16xf32> to vector<16xf32>
      %parallel_loop3A_875 = vector.shape_cast %parallel_loop3A_870 : vector<16xf32> to vector<1x16xf32>
      tpu.vector_store %arg5[%parallel_loop3A_871, %parallel_loop3A_872], %parallel_loop3A_875 {strides = array<i32>} : memref<8x128xf32, #tpu.memory_space<vmem>>, vector<1x16xf32>,
      %parallel_loop3A_876 = arith.constant 0 : i32
      %parallel_loop3A_877 = arith.addi %parallel_loop3A_42, %parallel_loop3A_876 : i32
      %parallel_loop3A_878 = arith.index_cast %parallel_loop3A_877 : i32 to index
      %parallel_loop3A_879 = arith.constant 112 : index
      %parallel_loop3A_880 = tpu.vector_load %arg4[%parallel_loop3A_878, %parallel_loop3A_879] {strides = array<i32>} : memref<128x128xf32, #tpu.memory_space<vmem>>, vector<1x16xf32>,
      %parallel_loop3A_881 = vector.shape_cast %parallel_loop3A_880 : vector<1x16xf32> to vector<16xf32>
      %parallel_loop3A_882 = arith.constant 1 : i32
      %parallel_loop3A_883 = arith.addi %parallel_loop3A_42, %parallel_loop3A_882 : i32
      %parallel_loop3A_884 = arith.index_cast %parallel_loop3A_883 : i32 to index
      %parallel_loop3A_885 = arith.constant 112 : index
      %parallel_loop3A_886 = tpu.vector_load %arg4[%parallel_loop3A_884, %parallel_loop3A_885] {strides = array<i32>} : memref<128x128xf32, #tpu.memory_space<vmem>>, vector<1x16xf32>,
      %parallel_loop3A_887 = vector.shape_cast %parallel_loop3A_886 : vector<1x16xf32> to vector<16xf32>
      %parallel_loop3A_888 = arith.constant 2 : i32
      %parallel_loop3A_889 = arith.addi %parallel_loop3A_42, %parallel_loop3A_888 : i32
      %parallel_loop3A_890 = arith.index_cast %parallel_loop3A_889 : i32 to index
      %parallel_loop3A_891 = arith.constant 112 : index
      %parallel_loop3A_892 = tpu.vector_load %arg4[%parallel_loop3A_890, %parallel_loop3A_891] {strides = array<i32>} : memref<128x128xf32, #tpu.memory_space<vmem>>, vector<1x16xf32>,
      %parallel_loop3A_893 = vector.shape_cast %parallel_loop3A_892 : vector<1x16xf32> to vector<16xf32>
      %parallel_loop3A_894 = arith.constant 3 : i32
      %parallel_loop3A_895 = arith.addi %parallel_loop3A_42, %parallel_loop3A_894 : i32
      %parallel_loop3A_896 = arith.index_cast %parallel_loop3A_895 : i32 to index
      %parallel_loop3A_897 = arith.constant 112 : index
      %parallel_loop3A_898 = tpu.vector_load %arg4[%parallel_loop3A_896, %parallel_loop3A_897] {strides = array<i32>} : memref<128x128xf32, #tpu.memory_space<vmem>>, vector<1x16xf32>,
      %parallel_loop3A_899 = vector.shape_cast %parallel_loop3A_898 : vector<1x16xf32> to vector<16xf32>
      %parallel_loop3A_900 = arith.constant 4 : i32
      %parallel_loop3A_901 = arith.addi %parallel_loop3A_42, %parallel_loop3A_900 : i32
      %parallel_loop3A_902 = arith.index_cast %parallel_loop3A_901 : i32 to index
      %parallel_loop3A_903 = arith.constant 112 : index
      %parallel_loop3A_904 = tpu.vector_load %arg4[%parallel_loop3A_902, %parallel_loop3A_903] {strides = array<i32>} : memref<128x128xf32, #tpu.memory_space<vmem>>, vector<1x16xf32>,
      %parallel_loop3A_905 = vector.shape_cast %parallel_loop3A_904 : vector<1x16xf32> to vector<16xf32>
      %parallel_loop3A_906 = arith.constant 5 : i32
      %parallel_loop3A_907 = arith.addi %parallel_loop3A_42, %parallel_loop3A_906 : i32
      %parallel_loop3A_908 = arith.index_cast %parallel_loop3A_907 : i32 to index
      %parallel_loop3A_909 = arith.constant 112 : index
      %parallel_loop3A_910 = tpu.vector_load %arg4[%parallel_loop3A_908, %parallel_loop3A_909] {strides = array<i32>} : memref<128x128xf32, #tpu.memory_space<vmem>>, vector<1x16xf32>,
      %parallel_loop3A_911 = vector.shape_cast %parallel_loop3A_910 : vector<1x16xf32> to vector<16xf32>
      %parallel_loop3A_912 = arith.constant 6 : i32
      %parallel_loop3A_913 = arith.addi %parallel_loop3A_42, %parallel_loop3A_912 : i32
      %parallel_loop3A_914 = arith.index_cast %parallel_loop3A_913 : i32 to index
      %parallel_loop3A_915 = arith.constant 112 : index
      %parallel_loop3A_916 = tpu.vector_load %arg4[%parallel_loop3A_914, %parallel_loop3A_915] {strides = array<i32>} : memref<128x128xf32, #tpu.memory_space<vmem>>, vector<1x16xf32>,
      %parallel_loop3A_917 = vector.shape_cast %parallel_loop3A_916 : vector<1x16xf32> to vector<16xf32>
      %parallel_loop3A_918 = arith.constant 7 : i32
      %parallel_loop3A_919 = arith.addi %parallel_loop3A_42, %parallel_loop3A_918 : i32
      %parallel_loop3A_920 = arith.index_cast %parallel_loop3A_919 : i32 to index
      %parallel_loop3A_921 = arith.constant 112 : index
      %parallel_loop3A_922 = tpu.vector_load %arg4[%parallel_loop3A_920, %parallel_loop3A_921] {strides = array<i32>} : memref<128x128xf32, #tpu.memory_space<vmem>>, vector<1x16xf32>,
      %parallel_loop3A_923 = vector.shape_cast %parallel_loop3A_922 : vector<1x16xf32> to vector<16xf32>
      %parallel_loop3A_924 = arith.constant 8 : i32
      %parallel_loop3A_925 = arith.addi %parallel_loop3A_42, %parallel_loop3A_924 : i32
      %parallel_loop3A_926 = arith.index_cast %parallel_loop3A_925 : i32 to index
      %parallel_loop3A_927 = arith.constant 112 : index
      %parallel_loop3A_928 = tpu.vector_load %arg4[%parallel_loop3A_926, %parallel_loop3A_927] {strides = array<i32>} : memref<128x128xf32, #tpu.memory_space<vmem>>, vector<1x16xf32>,
      %parallel_loop3A_929 = vector.shape_cast %parallel_loop3A_928 : vector<1x16xf32> to vector<16xf32>
      %parallel_loop3A_930 = arith.constant 9 : i32
      %parallel_loop3A_931 = arith.addi %parallel_loop3A_42, %parallel_loop3A_930 : i32
      %parallel_loop3A_932 = arith.index_cast %parallel_loop3A_931 : i32 to index
      %parallel_loop3A_933 = arith.constant 112 : index
      %parallel_loop3A_934 = tpu.vector_load %arg4[%parallel_loop3A_932, %parallel_loop3A_933] {strides = array<i32>} : memref<128x128xf32, #tpu.memory_space<vmem>>, vector<1x16xf32>,
      %parallel_loop3A_935 = vector.shape_cast %parallel_loop3A_934 : vector<1x16xf32> to vector<16xf32>
      %parallel_loop3A_936 = arith.constant 10 : i32
      %parallel_loop3A_937 = arith.addi %parallel_loop3A_42, %parallel_loop3A_936 : i32
      %parallel_loop3A_938 = arith.index_cast %parallel_loop3A_937 : i32 to index
      %parallel_loop3A_939 = arith.constant 112 : index
      %parallel_loop3A_940 = tpu.vector_load %arg4[%parallel_loop3A_938, %parallel_loop3A_939] {strides = array<i32>} : memref<128x128xf32, #tpu.memory_space<vmem>>, vector<1x16xf32>,
      %parallel_loop3A_941 = vector.shape_cast %parallel_loop3A_940 : vector<1x16xf32> to vector<16xf32>
      %parallel_loop3A_942 = arith.constant 11 : i32
      %parallel_loop3A_943 = arith.addi %parallel_loop3A_42, %parallel_loop3A_942 : i32
      %parallel_loop3A_944 = arith.index_cast %parallel_loop3A_943 : i32 to index
      %parallel_loop3A_945 = arith.constant 112 : index
      %parallel_loop3A_946 = tpu.vector_load %arg4[%parallel_loop3A_944, %parallel_loop3A_945] {strides = array<i32>} : memref<128x128xf32, #tpu.memory_space<vmem>>, vector<1x16xf32>,
      %parallel_loop3A_947 = vector.shape_cast %parallel_loop3A_946 : vector<1x16xf32> to vector<16xf32>
      %parallel_loop3A_948 = arith.constant 12 : i32
      %parallel_loop3A_949 = arith.addi %parallel_loop3A_42, %parallel_loop3A_948 : i32
      %parallel_loop3A_950 = arith.index_cast %parallel_loop3A_949 : i32 to index
      %parallel_loop3A_951 = arith.constant 112 : index
      %parallel_loop3A_952 = tpu.vector_load %arg4[%parallel_loop3A_950, %parallel_loop3A_951] {strides = array<i32>} : memref<128x128xf32, #tpu.memory_space<vmem>>, vector<1x16xf32>,
      %parallel_loop3A_953 = vector.shape_cast %parallel_loop3A_952 : vector<1x16xf32> to vector<16xf32>
      %parallel_loop3A_954 = arith.constant 13 : i32
      %parallel_loop3A_955 = arith.addi %parallel_loop3A_42, %parallel_loop3A_954 : i32
      %parallel_loop3A_956 = arith.index_cast %parallel_loop3A_955 : i32 to index
      %parallel_loop3A_957 = arith.constant 112 : index
      %parallel_loop3A_958 = tpu.vector_load %arg4[%parallel_loop3A_956, %parallel_loop3A_957] {strides = array<i32>} : memref<128x128xf32, #tpu.memory_space<vmem>>, vector<1x16xf32>,
      %parallel_loop3A_959 = vector.shape_cast %parallel_loop3A_958 : vector<1x16xf32> to vector<16xf32>
      %parallel_loop3A_960 = arith.constant 14 : i32
      %parallel_loop3A_961 = arith.addi %parallel_loop3A_42, %parallel_loop3A_960 : i32
      %parallel_loop3A_962 = arith.index_cast %parallel_loop3A_961 : i32 to index
      %parallel_loop3A_963 = arith.constant 112 : index
      %parallel_loop3A_964 = tpu.vector_load %arg4[%parallel_loop3A_962, %parallel_loop3A_963] {strides = array<i32>} : memref<128x128xf32, #tpu.memory_space<vmem>>, vector<1x16xf32>,
      %parallel_loop3A_965 = vector.shape_cast %parallel_loop3A_964 : vector<1x16xf32> to vector<16xf32>
      %parallel_loop3A_966 = arith.constant 15 : i32
      %parallel_loop3A_967 = arith.addi %parallel_loop3A_42, %parallel_loop3A_966 : i32
      %parallel_loop3A_968 = arith.index_cast %parallel_loop3A_967 : i32 to index
      %parallel_loop3A_969 = arith.constant 112 : index
      %parallel_loop3A_970 = tpu.vector_load %arg4[%parallel_loop3A_968, %parallel_loop3A_969] {strides = array<i32>} : memref<128x128xf32, #tpu.memory_space<vmem>>, vector<1x16xf32>,
      %parallel_loop3A_971 = vector.shape_cast %parallel_loop3A_970 : vector<1x16xf32> to vector<16xf32>
      %parallel_loop3A_972 = arith.addf %parallel_loop3A_881, %parallel_loop3A_887 : vector<16xf32>
      %parallel_loop3A_973 = arith.addf %parallel_loop3A_893, %parallel_loop3A_899 : vector<16xf32>
      %parallel_loop3A_974 = arith.addf %parallel_loop3A_905, %parallel_loop3A_911 : vector<16xf32>
      %parallel_loop3A_975 = arith.addf %parallel_loop3A_917, %parallel_loop3A_923 : vector<16xf32>
      %parallel_loop3A_976 = arith.addf %parallel_loop3A_929, %parallel_loop3A_935 : vector<16xf32>
      %parallel_loop3A_977 = arith.addf %parallel_loop3A_941, %parallel_loop3A_947 : vector<16xf32>
      %parallel_loop3A_978 = arith.addf %parallel_loop3A_953, %parallel_loop3A_959 : vector<16xf32>
      %parallel_loop3A_979 = arith.addf %parallel_loop3A_965, %parallel_loop3A_971 : vector<16xf32>
      %parallel_loop3A_980 = arith.addf %parallel_loop3A_972, %parallel_loop3A_973 : vector<16xf32>
      %parallel_loop3A_981 = arith.addf %parallel_loop3A_974, %parallel_loop3A_975 : vector<16xf32>
      %parallel_loop3A_982 = arith.addf %parallel_loop3A_976, %parallel_loop3A_977 : vector<16xf32>
      %parallel_loop3A_983 = arith.addf %parallel_loop3A_978, %parallel_loop3A_979 : vector<16xf32>
      %parallel_loop3A_984 = arith.addf %parallel_loop3A_980, %parallel_loop3A_981 : vector<16xf32>
      %parallel_loop3A_985 = arith.addf %parallel_loop3A_982, %parallel_loop3A_983 : vector<16xf32>
      %parallel_loop3A_986 = arith.addf %parallel_loop3A_984, %parallel_loop3A_985 : vector<16xf32>
      %parallel_loop3A_987 = arith.constant 6.250000e-02 : f32
      %parallel_loop3A_988 = vector.broadcast %parallel_loop3A_987 : f32 to vector<16xf32>
      %parallel_loop3A_989 = arith.mulf %parallel_loop3A_986, %parallel_loop3A_988 : vector<16xf32>
      %parallel_loop3A_990 = arith.index_cast %parallel_loop3A_40 : i32 to index
      %parallel_loop3A_991 = arith.constant 112 : index
      %parallel_loop3A_992 = tpu.vector_load %arg5[%parallel_loop3A_990, %parallel_loop3A_991] {strides = array<i32>} : memref<8x128xf32, #tpu.memory_space<vmem>>, vector<1x16xf32>,
      %parallel_loop3A_993 = vector.shape_cast %parallel_loop3A_992 : vector<1x16xf32> to vector<16xf32>
      %parallel_loop3A_994 = vector.shape_cast %parallel_loop3A_989 : vector<16xf32> to vector<1x16xf32>
      tpu.vector_store %arg5[%parallel_loop3A_990, %parallel_loop3A_991], %parallel_loop3A_994 {strides = array<i32>} : memref<8x128xf32, #tpu.memory_space<vmem>>, vector<1x16xf32>,
    } {sc.loop_unroll_factor = 2 : i64, sc.parallel_access}
    "tpu.region"() ({
      %run_scoped3A = tpu.sem_alloc : memref<!tpu.dma_semaphore, #tpu.memory_space<semaphore_mem>>
      %dma_start3A = arith.constant 0 : i32
      %dma_start3A_40 = tpu.memref_slice %arg3[%mul3A_37, %dma_start3A] : memref<256x128xf32, #tpu.memory_space<hbm>> -> memref<8x128xf32, #tpu.memory_space<hbm>>
      %dma_start3A_41 = arith.constant 0 : i32
      %dma_start3A_42 = tpu.memref_slice %arg3[%mul3A_37, %dma_start3A_41] : memref<256x128xf32, #tpu.memory_space<hbm>> -> memref<8x128xf32, #tpu.memory_space<hbm>>
      tpu.enqueue_dma source(%arg5 : memref<8x128xf32, #tpu.memory_space<vmem>>) target(%dma_start3A_42 : memref<8x128xf32, #tpu.memory_space<hbm>>) target_semaphore(%run_scoped3A : memref<!tpu.dma_semaphore, #tpu.memory_space<semaphore_mem>>)
      %dma_wait3A = arith.constant 0 : i32
      %dma_wait3A_43 = tpu.memref_slice %arg3[%mul3A_37, %dma_wait3A] : memref<256x128xf32, #tpu.memory_space<hbm>> -> memref<8x128xf32, #tpu.memory_space<hbm>>
      %dma_wait3A_44 = arith.constant 0 : i32
      %dma_wait3A_45 = tpu.memref_slice %arg3[%mul3A_37, %dma_wait3A_44] : memref<256x128xf32, #tpu.memory_space<hbm>> -> memref<8x128xf32, #tpu.memory_space<hbm>>
      tpu.wait_dma2 semaphore(%run_scoped3A : memref<!tpu.dma_semaphore, #tpu.memory_space<semaphore_mem>>) src(%arg5 : memref<8x128xf32, #tpu.memory_space<vmem>>) dst(%dma_wait3A_45 : memref<8x128xf32, #tpu.memory_space<hbm>>)
      tpu.yield
    }) : () -> ()
    return
  }
}

module attributes {stable_mosaic.version = 14 : i64} {
  func.func @_tc_body(%arg0: i32, %arg1: memref<4x1024x128xf32, #tpu.memory_space<vmem>>, %arg2: memref<4x64x128xf32, #tpu.memory_space<vmem>>) attributes {dimension_semantics = [#tpu.dimension_semantics<arbitrary>], iteration_bounds = array<i64: 3>, scalar_prefetch = 0 : i64, scratch_operands = 0 : i64, tpu.core_type = #tpu.core_type<tc>, window_params = [{transform_indices = @transform_0, window_bounds = array<i64: 4, 1024, 128>}, {transform_indices = @transform_1, window_bounds = array<i64: 4, 64, 128>}]} {
    %get3A = arith.constant 0 : index
    %get3A_0 = arith.constant 0 : index
    %get3A_1 = arith.constant 0 : index
    %get3A_2 = vector.load %arg1[%get3A, %get3A_0, %get3A_1] : memref<4x1024x128xf32, #tpu.memory_space<vmem>>, vector<4x1024x128xf32>
    %reshape3A = vector.shape_cast %get3A_2 : vector<4x1024x128xf32> to vector<4x64x16x128xf32>
    %reduce_sum3A = arith.constant dense<0.000000e+00> : vector<4x64x128xf32>
    %reduce_sum3A_3 = vector.multi_reduction <add>, %reshape3A, %reduce_sum3A [2] : vector<4x64x16x128xf32> to vector<4x64x128xf32>
    %mul3A = arith.constant 6.250000e-02 : f32
    %mul3A_4 = vector.broadcast %mul3A : f32 to vector<4x64x128xf32>
    %mul3A_5 = arith.mulf %reduce_sum3A_3, %mul3A_4 : vector<4x64x128xf32>
    %swap3A = arith.constant 0 : index
    %swap3A_6 = arith.constant 0 : index
    %swap3A_7 = arith.constant 0 : index
    %swap3A_8 = vector.load %arg2[%swap3A, %swap3A_6, %swap3A_7] : memref<4x64x128xf32, #tpu.memory_space<vmem>>, vector<4x64x128xf32>
    tpu.vector_store %arg2[%swap3A, %swap3A_6, %swap3A_7], %mul3A_5 {strides = array<i32>} : memref<4x64x128xf32, #tpu.memory_space<vmem>>, vector<4x64x128xf32>,
    return
  }
  func.func @transform_0(%arg0: i32) -> (i32, i32, i32) {
    %add3A = arith.constant 1 : i32
    %add3A_0 = arith.addi %add3A, %arg0 : i32
    %c0_i32 = arith.constant 0 : i32
    %c0_i32_1 = arith.constant 0 : i32
    %c0_i32_2 = arith.constant 0 : i32
    return %add3A_0, %c0_i32, %c0_i32_1 : i32, i32, i32
  }
  func.func @transform_1(%arg0: i32) -> (i32, i32, i32) {
    %add3A = arith.constant 1 : i32
    %add3A_0 = arith.addi %add3A, %arg0 : i32
    %c0_i32 = arith.constant 0 : i32
    %c0_i32_1 = arith.constant 0 : i32
    %c0_i32_2 = arith.constant 0 : i32
    return %add3A_0, %c0_i32, %c0_i32_1 : i32, i32, i32
  }
}

</mosaic_0001>

<sc_bundles>
// kernel: kernel.4.cloned.1.call-start
scs
__scs_entry_jumppad:
0x0: {  	(pc) =	sbr.rel $0x88, $3  }
0x1: {  	(tag) =	ssettag $0x0;
	lr =	simm.s32 $0x1  }
0x2: {  	[smem:$0x3FA0] =	sst lr;
	_ =	strace $0xD0000000  }
0x3: {  	_ = 	snop  }
0x4: {  	_ = 	snop  }
0x5: {  	_ = 	snop  }
0x6: {  	_ = 	snop  }
0x7: {  	_ = 	snop  }
__scs_overlays_trampoline_lowered:
0x8: {  	[smem:$0x3FAF] =	sst s0  }
0x9: {  	[smem:$0x3FB0] =	sst s1  }
0xa: {  	[smem:$0x3FB1] =	sst s2  }
0xb: {  	[smem:$0x3FB2] =	sst s3  }
0xc: {  	[smem:$0x3FB3] =	sst s4  }
0xd: {  	[smem:$0x3FB4] =	sst s5  }
0xe: {  	[smem:$0x3FB5] =	sst s6  }
0xf: {  	[smem:$0x3FB6] =	sst s7  }
0x10: {  	[smem:$0x3FB7] =	sst s8  }
0x11: {  	[smem:$0x3FB8] =	sst s9;
	s0 =	simm.s32 @!p0 $0x0  }
0x12: {  	s1 =	sld [smem:$0x3F9E];
	s0 =	simm.s32 @p0 $0x1  }
0x13: {  	[smem:$0x3FB9] =	sst s0;
	s0 =	simm.s32 @!p1 $0x0  }
0x14: {  	s2 =	sld [smem:$0x3F9D];
	s0 =	simm.s32 @p1 $0x1  }
0x15: {  	[smem:$0x3FBA] =	sst s0;
	s0 =	simm.s32 @!p2 $0x0  }
0x16: {  	s3 =	sld [smem:$0x3FDB];
	s0 =	simm.s32 @p2 $0x1  }
0x17: {  	s4 =	simm.s32 $0x1BF5;
	[smem:$0x3FBC] =	sst s0  }
0x18: {  	s0 =	sld [smem:$0x3F9F];
	_ =	swait.ge [sflag:s4], $0x0  }
0x19: {  	s7 =	sld [smem:$0x3FA0]  }
0x1a: {  	s8 =	sadd.s32 $0xFFFFE003, lr  }
0x1b: {  	s9 =	sadd.s32 $0xFFFFFEF7, lr;
	s5 =	simm.s32 $0xFFFFFFFF;
	p2 =	slt.u32 s8, $0xFFFFF086  }
0x1c: {  	p1 =	slt.u32 s9, $0xF7A;
	s5 =	simm.s32 @!p2 $0x0  }
0x1d: {  	s5 =	simm.s32 @p1 $0x1;
	p0 =	seq.s32 s7, s2  }
0x1e: {  	s7 =	smul.u32 @!p0 $0xF7A, s2;
	p2 =	seq.s32 @!p0 s5, $0x0  }
0x1f: {  	s9 =	smul.u32 $0xF7A, s1;
	s8 =	simm.s32 @!p0 $0x1BF5;
	p2 =	por !p2, p0  }
0x20: {  	[sflag:s8] =	ssyncset.s32 @!p0 $0xFFFFF086;
	s6 =	sadd.s32 @!p0 s3, s7;
	s7 =	simm.s32 @!p0 $0x108  }
0x21: {  	s3 =	sadd.s32 s3, s9;
	s6 =	sadd.s32 @!p0 $0x88, s6;
	s7 =	simm.s32 @p2 $0x1082  }
0x22: {  	[simem:s7], [sflag:s8] =	dma.local @!p0 [hbm:s6], $0xF7A  }
0x23: {  	s9 =	sor.u32 $0xD0000000, s2;
	s6 =	simm.s32 $0x108;
	_ =	swait.ge @!p0 [sflag:s8], $0x0  }
0x24: {  	s3 =	sadd.s32 $0x88, s3;
	s6 =	simm.s32 @!p1 $0x1082;
	[sflag:s4] =	ssyncset.s32 $0xFFFFF086  }
0x25: {  	[simem:s6], [sflag:s4] =	dma.local [hbm:s3], $0xF7A  }
0x26: {  	[smem:$0x3FA0] =	sst s1;
	(tag) =	ssettag s2;
	_ =	strace s9  }
0x27: {  	s1 =	sld [smem:$0x3FB0]  }
0x28: {  	s2 =	sld [smem:$0x3FB1]  }
0x29: {  	s4 =	sld [smem:$0x3FB3]  }
0x2a: {  	p0 =	seq.s32 s5, $0x0;
	s5 =	sld [smem:$0x3FB4]  }
0x2b: {  	s6 =	sld [smem:$0x3FB5]  }
0x2c: {  	s7 =	sld [smem:$0x3FB6]  }
0x2d: {  	s3 =	simm.s32 $0x108;
	s8 =	sld [smem:$0x3FB7]  }
0x2e: {  	s3 =	simm.s32 @!p0 $0x1082;
	s9 =	sld [smem:$0x3FB8]  }
0x2f: {  	lr =	sadd.s32 s0, s3;
	s0 =	sld [smem:$0x3FAF]  }
0x30: {  	s3 =	sld [smem:$0x3FB2]  }
0x31: {  	[smem:$0x3FBB] =	sst s10  }
0x32: {  	s10 =	sld [smem:$0x3FB9];
	_ =	sdelay $0x3  }
0x33: {  	p0 =	seq.s32 s10, $0x1;
	s10 =	sld [smem:$0x3FBB];
	_ =	sdelay $0x3  }
0x34: {  	[smem:$0x3FBB] =	sst s10  }
0x35: {  	s10 =	sld [smem:$0x3FBA];
	_ =	sdelay $0x3  }
0x36: {  	p1 =	seq.s32 s10, $0x1;
	s10 =	sld [smem:$0x3FBB];
	_ =	sdelay $0x3  }
0x37: {  	[smem:$0x3FBB] =	sst s10  }
0x38: {  	s10 =	sld [smem:$0x3FBC]  }
0x39: {  	_ = 	snop;
	(pc) =	sbr.ind lr, $3  }
0x3a: {  	_ = 	snop  }
0x3b: {  	_ = 	snop  }
0x3c: {  	p2 =	seq.s32 s10, $0x1;
	s10 =	sld [smem:$0x3FBB]  }
0x3d: {  	_ =	shalt  }
0x3e: {  	_ =	shalt  }
0x3f: {  	_ =	shalt  }
0x40: {  	_ =	shalt  }
0x41: {  	_ =	shalt  }
0x42: {  	_ =	shalt  }
0x43: {  	_ =	shalt  }
0x44: {  	_ =	shalt  }
0x45: {  	_ =	shalt  }
0x46: {  	_ =	shalt  }
0x47: {  	_ =	shalt  }
0x48: {  	_ =	shalt  }
0x49: {  	_ =	shalt  }
0x4a: {  	_ =	shalt  }
0x4b: {  	_ =	shalt  }
0x4c: {  	_ =	shalt  }
0x4d: {  	_ =	shalt  }
0x4e: {  	_ =	shalt  }
0x4f: {  	_ =	shalt  }
0x50: {  	_ =	shalt  }
0x51: {  	_ =	shalt  }
0x52: {  	_ =	shalt  }
0x53: {  	_ =	shalt  }
0x54: {  	_ =	shalt  }
0x55: {  	_ =	shalt  }
0x56: {  	_ =	shalt  }
0x57: {  	_ =	shalt  }
0x58: {  	_ =	shalt  }
0x59: {  	_ =	shalt  }
0x5a: {  	_ =	shalt  }
0x5b: {  	_ =	shalt  }
0x5c: {  	_ =	shalt  }
0x5d: {  	_ =	shalt  }
0x5e: {  	_ =	shalt  }
0x5f: {  	_ =	shalt  }
0x60: {  	_ =	shalt  }
0x61: {  	_ =	shalt  }
0x62: {  	_ =	shalt  }
0x63: {  	_ =	shalt  }
0x64: {  	_ =	shalt  }
0x65: {  	_ =	shalt  }
0x66: {  	_ =	shalt  }
0x67: {  	_ =	shalt  }
0x68: {  	_ =	shalt  }
0x69: {  	_ =	shalt  }
0x6a: {  	_ =	shalt  }
0x6b: {  	_ =	shalt  }
0x6c: {  	_ =	shalt  }
0x6d: {  	_ =	shalt  }
0x6e: {  	_ =	shalt  }
0x6f: {  	_ =	shalt  }
0x70: {  	_ =	shalt  }
0x71: {  	_ =	shalt  }
0x72: {  	_ =	shalt  }
0x73: {  	_ =	shalt  }
0x74: {  	_ =	shalt  }
0x75: {  	_ =	shalt  }
0x76: {  	_ =	shalt  }
0x77: {  	_ =	shalt  }
0x78: {  	_ =	shalt  }
0x79: {  	_ =	shalt  }
0x7a: {  	_ =	shalt  }
0x7b: {  	_ =	shalt  }
0x7c: {  	_ =	shalt  }
0x7d: {  	_ =	shalt  }
0x7e: {  	_ =	shalt  }
0x7f: {  	_ =	shalt  }
0x80: {  	_ =	shalt  }
0x81: {  	_ =	shalt  }
0x82: {  	_ =	shalt  }
0x83: {  	_ =	shalt  }
0x84: {  	_ =	shalt  }
0x85: {  	_ =	shalt  }
0x86: {  	_ =	shalt  }
0x87: {  	_ =	shalt  }
.Lfunc_end0:
.L_simem_size_0:
called_computation_lowered:
.L_overlay_start_0:
0x88: {  	s2 =	sld [smem:$0x3FD9]  }
0x89: {  	s3 =	sld [smem:$0x3FFE];
	_ =	sdelay $0x1  }
0x8a: {  	s1 =	srdreg.scid  }
0x8b: {  	s0 =	sand.u32 $0x1, s1  }
0x8c: {  	s17 =	sshll.u32 s0, $0xA;
	s2 =	sadd.s32 s3, s2  }
0x8d: {  	s2 =	sadd.s32 s2, s17  }
0x8e: {  	[smem:$0x3FC7] =	sst s2  }
0x8f: {  	_ = 	snop  }
0x90: {  	s2 =	sld [smem:$0x3FC9];
	(tm) =	ssettm $0x1  }
0x91: {  	s18 =	sld [smem:$0x3FFB];
	_ =	sdelay $0x3  }
0x92: {  	_ =	strace s18  }
0x93: {  	s3 =	sld [smem:$0x3FFC];
	_ =	sdelay $0x3  }
0x94: {  	_ =	strace s3  }
0x95: {  	s3 =	sld [smem:$0x3FFD];
	_ =	sdelay $0x3  }
0x96: {  	_ =	strace s3  }
0x97: {  	_ =	strace $0x8FFFFFFF  }
0x98: {  	s19 =	sld [smem:$0x3FDB];
	_ =	sdelay $0x1  }
0x99: {  	s4 =	simm.s32 $_scs_section_size  }
0x9a: {  	s5 =	simm.s32 $_size__tile_overlayer_lowered;
	s6 =	simm.s32 $_tile_overlayer_lowered  }
0x9b: {  	s22 =	simm.s32 $0x1BFF;
	s21 =	sshll.u32 s6, $0x1;
	s3 =	sadd.s32 s4, s19  }
0x9c: {  	s7 =	simm.s32 $0x0;
	s20 =	sshll.u32 s5, $0x1;
	s5 =	sadd.s32 s21, s3  }
0x9d: {  	[timem:s7], [sflag:s22] =	dma.local [hbm:s5], s20  }
0x9e: {  	_ =	swait.ge [sflag:s22], s20  }
0x9f: {  	s4 =	ssub.s32 $0x0, s20;
	[sflag:s22] =	ssyncset.done $0x0  }
0xa0: {  	[sflag:s22] =	ssyncadd.s32 s4;
	_ =	sdelay $0x1  }
0xa1: {  	s23 =	simm.s32 $0x1B8B  }
0xa2: {  	_ =	swait.ge [sflag:s23], $0x1  }
0xa3: {  	[sflag:s23] =	ssyncset.done $0x0  }
0xa4: {  	s25 =	simm.s32 $0x1B8E;
	s24 =	sld [smem:$0x3FFE];
	[sflag:s23] =	ssyncadd.s32 $0xFFFFFFFF  }
0xa5: {  	s26 =	simm.s32 $execute0_lowered;
	[smem:$0x3FD2] =	sst s25  }
0xa6: {  	s5 =	sshll.u32 s26, $0x1;
	_ =	strace $0x80000046;
	[dreg:$0x1] =	wrdreg $0xFFFFFFFF  }
0xa7: {  	s28 =	simm.s32 $_size_execute0_lowered;
	s3 =	sadd.s32 s3, s5;
	[dreg:$0x0] =	wrdreg $0x0  }
0xa8: {  	s5 =	sshll.u32 s28, $0x1;
	[dreg:$0x2] =	wrdreg s3  }
0xa9: {  	[dreg:$0x3] =	wrdreg s5  }
0xaa: {  	[dreg:$0x4] =	wrdreg $0xC0  }
0xab: {  	_ =	task [dreg:s7], $0x5FFFF  }
0xac: {  	[dreg:$0x1] =	wrdreg $0xFFFFFFFF  }
0xad: {  	[dreg:$0x0] =	wrdreg $0x60  }
0xae: {  	[dreg:$0x2] =	wrdreg s2  }
0xaf: {  	[dreg:$0x3] =	wrdreg s24  }
0xb0: {  	[dreg:$0x4] =	wrdreg $0x9  }
0xb1: {  	_ =	task.clear_ibuf [dreg:s7], $0x5FFFF;
	_ =	strace $0x90000046  }
0xb2: {  	s29 =	simm.s32 $0x9;
	_ =	strace $0x80000048  }
0xb3: {  	_ =	swait.ge [sflag:s29], $0x1  }
0xb4: {  	[sflag:s29] =	ssyncadd.s32 $0xFFFFFFFF  }
0xb5: {  	_ =	strace $0x90000048  }
0xb6: {  	_ =	sfence  }
0xb7: {  	s30 =	sld [smem:$0x0];
	_ =	sdelay $0x2  }
0xb8: {  	s31 =	sshll.u32 s1, $0xD;
	s1 =	sshrl.u32 s1, $0x2  }
0xb9: {  	s3 =	sand.u32 $0x4000, s31;
	s1 =	sadd.s32 s1, s30  }
0xba: {  	s0 =	sor.u32 s3, s0;
	s1 =	sshll.u32 s1, $0x11  }
0xbb: {  	s0 =	sor.u32 s1, s0  }
0xbc: {  	s0 =	sadd.s32 $0x8F2B, s0  }
0xbd: {  	[sflag:s0] =	ssyncadd.remote.s32 $0x1  }
0xbe: {  	_ =	sfence.sel $0xFFFF  }
0xbf: {  	[dreg:$0x0] =	wrdreg $0xFFFFFFFF;
	(pc) =	sbr.abs _section_cstart, $3  }
0xc0: {  	[dreg:$0x1] =	wrdreg $0xFFFFFFFF  }
0xc1: {  	_ =	task.clear_ibuf [dreg:s7], $0x2FFFF;
	_ =	strace $0x9FFFFFFF  }
0xc2: {  	(tm) =	ssettm $0x7FFFFFFF  }
0xc3: {  	_ =	shalt  }
tec
execute0_lowered:
.L_overlay_start_1:
0x0: {  	(tag) =	ssettag $0x1  }
0x1: {  	s3 =	rddreg [dreg:$0x0]  }
0x2: {  	s4 =	rddreg [dreg:$0x1]  }
0x3: {  	s0 =	rddreg [dreg:$0x2]  }
0x4: {  	s2 =	simm.s32 $0x0;
	s5 =	srdreg.scid;
	s1 =	stileid.u32  }
0x5: {  	[smem:$0x7FF] =	sst s2;
	s5 =	sand.u32 $0x1, s5;
	s6 =	sshll.u32 s1, $0x1  }
0x6: {  	s7 =	sshrl.u32 s1, $0x2;
	_ =	strace $0x80000047;
	s6 =	sor.u32 s5, s6  }
0x7: {  	s5 =	ssub.s32 $0x2, s5;
	s7 =	smul.u32 $0x4E200, s7;
	s8 =	sshll.u32 s6, $0x7  }
0x8: {  	s31 =	sshrl.u32 s5, $0x1;
	s6 =	sshll.u32 s6, $0xB;
	s4 =	sadd.s32 s8, s4  }
0x9: {  	s5 =	ssub.s32 s5, s31;
	s6 =	sand.u32 $0x3800, s6;
	s3 =	sadd.s32 s3, s7  }
0xa: {  	s7 =	simm.s32 $0x4000;
	s8 =	simm.s32 $0x0;
	s3 =	sadd.s32 s6, s3  }
0xb: {  	s4 =	sadd.s32 $0x400, s4;
	s5 =	smax.u32 s5, $0x1;
	s6 =	simm.s32 $0x1  }
.LBB2_1:
0xc: {  	[tilespmem:s2], [sflag:$0x1] =	stream.linear.gather [hbm4b:s3+s2], $0x4000, $0x38;
	[tilespmem:$0x4400] =	vst v63  }
0xd: {  	_ =	swait.ge [sflag:s6], $0x4000  }
0xe: {  	[sflag:s6] =	ssyncset.done $0x0  }
0xf: {  	s9 =	simm.s32 $0x0;
	[sflag:s6] =	ssyncadd.s32 $0xFFFFC000  }
.LBB2_2:
0x10: {  	s10 =	sshll.u32 s9, $0xB  }
0x11: {  	s11 =	sand.u32 $0x3FFFF800, s10  }
0x12: {  	v0 =	vld [tilespmem:s11+$0x0]  }
0x13: {  	v1 =	vld [tilespmem:s11+$0x80]  }
0x14: {  	v2 =	vld [tilespmem:s11+$0x100]  }
0x15: {  	v3 =	vld [tilespmem:s11+$0x180]  }
0x16: {  	v4 =	vld [tilespmem:s11+$0x200]  }
0x17: {  	v5 =	vld [tilespmem:s11+$0x280]  }
0x18: {  	v6 =	vld [tilespmem:s11+$0x300]  }
0x19: {  	v7 =	vld [tilespmem:s11+$0x380]  }
0x1a: {  	v8 =	vld [tilespmem:s11+$0x400]  }
0x1b: {  	v9 =	vld [tilespmem:s11+$0x480]  }
0x1c: {  	v10 =	vld [tilespmem:s11+$0x500]  }
0x1d: {  	v11 =	vld [tilespmem:s11+$0x580]  }
0x1e: {  	v12 =	vld [tilespmem:s11+$0x600]  }
0x1f: {  	v13 =	vld [tilespmem:s11+$0x680]  }
0x20: {  	v14 =	vld [tilespmem:s11+$0x700]  }
0x21: {  	v15 =	vld [tilespmem:s11+$0x780];
	_ =	sdelay $0x1  }
0x22: {  	v0 =	vadd.f32 v1, v0;
	v41 =	vadd.f32 v3, v2  }
0x23: {  	v42 =	vadd.f32 v5, v4;
	v43 =	vadd.f32 v7, v6  }
0x24: {  	v44 =	vadd.f32 v9, v8;
	v45 =	vadd.f32 v11, v10  }
0x25: {  	v46 =	vadd.f32 v13, v12;
	v47 =	vadd.f32 v15, v14  }
0x26: {  	v0 =	vadd.f32 v41, v0;
	v48 =	vadd.f32 v43, v42  }
0x27: {  	v49 =	vadd.f32 v45, v44;
	v50 =	vadd.f32 v47, v46;
	_ =	sdelay $0x1  }
0x28: {  	v0 =	vadd.f32 v48, v0;
	v51 =	vadd.f32 v50, v49;
	_ =	sdelay $0x1  }
0x29: {  	v0 =	vadd.f32 v51, v0;
	_ =	sdelay $0x1  }
0x2a: {  	s30 =	sshll.u32 s9, $0x7;
	v0 =	vmul.f32 $6.250000000e-02, v0  }
0x2b: {  	s10 =	sand.u32 $0x3FFFFF80, s30  }
0x2c: {  	[tilespmem:s10+$0x4000] =	vst v0  }
0x2d: {  	v0 =	vld [tilespmem:s11+$0x10]  }
0x2e: {  	v52 =	vld [tilespmem:s11+$0x90]  }
0x2f: {  	v53 =	vld [tilespmem:s11+$0x110]  }
0x30: {  	v54 =	vld [tilespmem:s11+$0x190]  }
0x31: {  	v55 =	vld [tilespmem:s11+$0x210]  }
0x32: {  	v56 =	vld [tilespmem:s11+$0x290]  }
0x33: {  	v57 =	vld [tilespmem:s11+$0x310]  }
0x34: {  	v58 =	vld [tilespmem:s11+$0x390]  }
0x35: {  	v59 =	vld [tilespmem:s11+$0x410]  }
0x36: {  	v60 =	vld [tilespmem:s11+$0x490]  }
0x37: {  	v61 =	vld [tilespmem:s11+$0x510]  }
0x38: {  	v62 =	vld [tilespmem:s11+$0x590]  }
0x39: {  	v63 =	vld [tilespmem:s11+$0x610]  }
0x3a: {  	v18 =	vld [tilespmem:s11+$0x690]  }
0x3b: {  	v19 =	vld [tilespmem:s11+$0x710]  }
0x3c: {  	v20 =	vld [tilespmem:s11+$0x790];
	_ =	sdelay $0x1  }
0x3d: {  	v0 =	vadd.f32 v52, v0;
	v21 =	vadd.f32 v54, v53  }
0x3e: {  	v22 =	vadd.f32 v56, v55;
	v23 =	vadd.f32 v58, v57  }
0x3f: {  	v24 =	vadd.f32 v60, v59;
	v25 =	vadd.f32 v62, v61  }
0x40: {  	v26 =	vadd.f32 v18, v63;
	v27 =	vadd.f32 v20, v19  }
0x41: {  	v0 =	vadd.f32 v21, v0;
	v28 =	vadd.f32 v23, v22  }
0x42: {  	v29 =	vadd.f32 v25, v24;
	v30 =	vadd.f32 v27, v26;
	_ =	sdelay $0x1  }
0x43: {  	v0 =	vadd.f32 v28, v0;
	v31 =	vadd.f32 v30, v29;
	_ =	sdelay $0x1  }
0x44: {  	v0 =	vadd.f32 v31, v0;
	_ =	sdelay $0x1  }
0x45: {  	v0 =	vmul.f32 $6.250000000e-02, v0;
	_ =	sdelay $0x1  }
0x46: {  	[tilespmem:s10+$0x4010] =	vst v0  }
0x47: {  	v0 =	vld [tilespmem:s11+$0x20]  }
0x48: {  	v32 =	vld [tilespmem:s11+$0xA0]  }
0x49: {  	v33 =	vld [tilespmem:s11+$0x120]  }
0x4a: {  	v34 =	vld [tilespmem:s11+$0x1A0]  }
0x4b: {  	v35 =	vld [tilespmem:s11+$0x220]  }
0x4c: {  	v36 =	vld [tilespmem:s11+$0x2A0]  }
0x4d: {  	v37 =	vld [tilespmem:s11+$0x320]  }
0x4e: {  	v38 =	vld [tilespmem:s11+$0x3A0]  }
0x4f: {  	v39 =	vld [tilespmem:s11+$0x420]  }
0x50: {  	v40 =	vld [tilespmem:s11+$0x4A0]  }
0x51: {  	v41 =	vld [tilespmem:s11+$0x520]  }
0x52: {  	v42 =	vld [tilespmem:s11+$0x5A0]  }
0x53: {  	v43 =	vld [tilespmem:s11+$0x620]  }
0x54: {  	v44 =	vld [tilespmem:s11+$0x6A0]  }
0x55: {  	v45 =	vld [tilespmem:s11+$0x720]  }
0x56: {  	v46 =	vld [tilespmem:s11+$0x7A0];
	_ =	sdelay $0x1  }
0x57: {  	v0 =	vadd.f32 v32, v0;
	v47 =	vadd.f32 v34, v33  }
0x58: {  	v48 =	vadd.f32 v36, v35;
	v49 =	vadd.f32 v38, v37  }
0x59: {  	v50 =	vadd.f32 v40, v39;
	v51 =	vadd.f32 v42, v41  }
0x5a: {  	v52 =	vadd.f32 v44, v43;
	v53 =	vadd.f32 v46, v45  }
0x5b: {  	v0 =	vadd.f32 v47, v0;
	v54 =	vadd.f32 v49, v48  }
0x5c: {  	v55 =	vadd.f32 v51, v50;
	v56 =	vadd.f32 v53, v52;
	_ =	sdelay $0x1  }
0x5d: {  	v0 =	vadd.f32 v54, v0;
	v57 =	vadd.f32 v56, v55;
	_ =	sdelay $0x1  }
0x5e: {  	v0 =	vadd.f32 v57, v0  }
0x5f: {  	s13 =	sor.u32 $0x1, s9  }
0x60: {  	s12 =	sshll.u32 s13, $0xB;
	v0 =	vmul.f32 $6.250000000e-02, v0  }
0x61: {  	s12 =	sand.u32 $0x3FFFF800, s12  }
0x62: {  	v16 =	vld [tilespmem:s12+$0x780];
	[tilespmem:s10+$0x4020] =	vst v0  }
0x63: {  	v0 =	vld [tilespmem:s11+$0x30]  }
0x64: {  	v58 =	vld [tilespmem:s11+$0xB0]  }
0x65: {  	v59 =	vld [tilespmem:s11+$0x130]  }
0x66: {  	v60 =	vld [tilespmem:s11+$0x1B0]  }
0x67: {  	v61 =	vld [tilespmem:s11+$0x230]  }
0x68: {  	v62 =	vld [tilespmem:s11+$0x2B0]  }
0x69: {  	v63 =	vld [tilespmem:s11+$0x330]  }
0x6a: {  	v18 =	vld [tilespmem:s11+$0x3B0]  }
0x6b: {  	v19 =	vld [tilespmem:s11+$0x430]  }
0x6c: {  	v20 =	vld [tilespmem:s11+$0x4B0]  }
0x6d: {  	v21 =	vld [tilespmem:s11+$0x530]  }
0x6e: {  	v22 =	vld [tilespmem:s11+$0x5B0]  }
0x6f: {  	v23 =	vld [tilespmem:s11+$0x630]  }
0x70: {  	v24 =	vld [tilespmem:s11+$0x6B0]  }
0x71: {  	v25 =	vld [tilespmem:s11+$0x730]  }
0x72: {  	v26 =	vld [tilespmem:s11+$0x7B0]  }
0x73: {  	v38 =	vld [tilespmem:s12+$0x0]  }
0x74: {  	v39 =	vld [tilespmem:s12+$0x80];
	v0 =	vadd.f32 v58, v0;
	v27 =	vadd.f32 v60, v59  }
0x75: {  	v40 =	vld [tilespmem:s12+$0x100];
	v28 =	vadd.f32 v62, v61;
	v29 =	vadd.f32 v18, v63  }
0x76: {  	v41 =	vld [tilespmem:s12+$0x180];
	v30 =	vadd.f32 v20, v19;
	v31 =	vadd.f32 v22, v21  }
0x77: {  	v42 =	vld [tilespmem:s12+$0x200];
	v32 =	vadd.f32 v24, v23;
	v33 =	vadd.f32 v26, v25  }
0x78: {  	v43 =	vld [tilespmem:s12+$0x280];
	v0 =	vadd.f32 v27, v0;
	v34 =	vadd.f32 v29, v28  }
0x79: {  	v44 =	vld [tilespmem:s12+$0x300];
	v35 =	vadd.f32 v31, v30;
	v36 =	vadd.f32 v33, v32  }
0x7a: {  	v45 =	vld [tilespmem:s12+$0x380]  }
0x7b: {  	v46 =	vld [tilespmem:s12+$0x400];
	v0 =	vadd.f32 v34, v0;
	v37 =	vadd.f32 v36, v35  }
0x7c: {  	v47 =	vld [tilespmem:s12+$0x480]  }
0x7d: {  	v48 =	vld [tilespmem:s12+$0x500];
	v0 =	vadd.f32 v37, v0  }
0x7e: {  	v49 =	vld [tilespmem:s12+$0x580]  }
0x7f: {  	v50 =	vld [tilespmem:s12+$0x600];
	v0 =	vmul.f32 $6.250000000e-02, v0  }
0x80: {  	v51 =	vld [tilespmem:s12+$0x680]  }
0x81: {  	v52 =	vld [tilespmem:s12+$0x700];
	[tilespmem:s10+$0x4030] =	vst v0  }
0x82: {  	v0 =	vld [tilespmem:s11+$0x40]  }
0x83: {  	v17 =	vld [tilespmem:s11+$0xC0]  }
0x84: {  	v1 =	vadd.f32 v39, v38;
	v53 =	vadd.f32 v41, v40;
	v18 =	vld [tilespmem:s11+$0x140]  }
0x85: {  	v55 =	vadd.f32 v43, v42;
	v56 =	vadd.f32 v45, v44;
	v54 =	vld [tilespmem:s11+$0x1C0]  }
0x86: {  	v58 =	vadd.f32 v47, v46;
	v59 =	vadd.f32 v49, v48;
	v57 =	vld [tilespmem:s11+$0x240]  }
0x87: {  	v61 =	vadd.f32 v51, v50;
	v62 =	vadd.f32 v16, v52;
	v60 =	vld [tilespmem:s11+$0x2C0]  }
0x88: {  	v1 =	vadd.f32 v53, v1;
	v28 =	vadd.f32 v56, v55;
	v63 =	vld [tilespmem:s11+$0x340]  }
0x89: {  	v30 =	vadd.f32 v59, v58;
	v31 =	vadd.f32 v62, v61;
	v29 =	vld [tilespmem:s11+$0x3C0]  }
0x8a: {  	v32 =	vld [tilespmem:s11+$0x440]  }
0x8b: {  	v1 =	vadd.f32 v28, v1;
	v34 =	vadd.f32 v31, v30;
	v33 =	vld [tilespmem:s11+$0x4C0]  }
0x8c: {  	v35 =	vld [tilespmem:s11+$0x540]  }
0x8d: {  	v1 =	vadd.f32 v34, v1;
	v36 =	vld [tilespmem:s11+$0x5C0]  }
0x8e: {  	v37 =	vld [tilespmem:s11+$0x640]  }
0x8f: {  	s13 =	sshll.u32 s13, $0x7;
	v1 =	vmul.f32 $6.250000000e-02, v1;
	v38 =	vld [tilespmem:s11+$0x6C0]  }
0x90: {  	s13 =	sand.u32 $0x3FFFFF80, s13;
	v39 =	vld [tilespmem:s11+$0x740]  }
0x91: {  	[tilespmem:s13+$0x4000] =	vst v1;
	v40 =	vld [tilespmem:s11+$0x7C0]  }
0x92: {  	v1 =	vld [tilespmem:s12+$0x10]  }
0x93: {  	v41 =	vld [tilespmem:s12+$0x90]  }
0x94: {  	v42 =	vld [tilespmem:s12+$0x110]  }
0x95: {  	v19 =	vld [tilespmem:s12+$0x190]  }
0x96: {  	v20 =	vld [tilespmem:s12+$0x210]  }
0x97: {  	v21 =	vld [tilespmem:s12+$0x290]  }
0x98: {  	v22 =	vld [tilespmem:s12+$0x310]  }
0x99: {  	v23 =	vld [tilespmem:s12+$0x390]  }
0x9a: {  	v24 =	vld [tilespmem:s12+$0x410]  }
0x9b: {  	v25 =	vld [tilespmem:s12+$0x490]  }
0x9c: {  	v26 =	vld [tilespmem:s12+$0x510]  }
0x9d: {  	v43 =	vld [tilespmem:s12+$0x590];
	v0 =	vadd.f32 v17, v0;
	v3 =	vadd.f32 v54, v18  }
0x9e: {  	v44 =	vld [tilespmem:s12+$0x610];
	v6 =	vadd.f32 v60, v57;
	v4 =	vadd.f32 v29, v63  }
0x9f: {  	v45 =	vld [tilespmem:s12+$0x690];
	v8 =	vadd.f32 v33, v32;
	v5 =	vadd.f32 v36, v35  }
0xa0: {  	v47 =	vld [tilespmem:s12+$0x710];
	v2 =	vadd.f32 v38, v37;
	v46 =	vadd.f32 v40, v39  }
0xa1: {  	v49 =	vld [tilespmem:s12+$0x790];
	v1 =	vadd.f32 v41, v1;
	v50 =	vadd.f32 v19, v42  }
0xa2: {  	v51 =	vadd.f32 v21, v20;
	v52 =	vadd.f32 v23, v22  }
0xa3: {  	v53 =	vadd.f32 v25, v24;
	v54 =	vadd.f32 v43, v26  }
0xa4: {  	v7 =	vadd.f32 v45, v44;
	v0 =	vadd.f32 v3, v0  }
0xa5: {  	v48 =	vadd.f32 v4, v6;
	v5 =	vadd.f32 v5, v8  }
0xa6: {  	v2 =	vadd.f32 v46, v2;
	v4 =	vadd.f32 v49, v47  }
0xa7: {  	v1 =	vadd.f32 v50, v1;
	v55 =	vadd.f32 v52, v51  }
0xa8: {  	v56 =	vadd.f32 v54, v53;
	v4 =	vadd.f32 v4, v7  }
0xa9: {  	v0 =	vadd.f32 v48, v0;
	v2 =	vadd.f32 v2, v5  }
0xaa: {  	v1 =	vadd.f32 v55, v1;
	v57 =	vadd.f32 v4, v56  }
0xab: {  	v0 =	vadd.f32 v2, v0  }
0xac: {  	v1 =	vadd.f32 v57, v1  }
0xad: {  	v0 =	vmul.f32 $6.250000000e-02, v0  }
0xae: {  	v1 =	vmul.f32 $6.250000000e-02, v1  }
0xaf: {  	[tilespmem:s10+$0x4040] =	vst v0  }
0xb0: {  	v0 =	vld [tilespmem:s11+$0x50];
	[tilespmem:s13+$0x4010] =	vst v1  }
0xb1: {  	v1 =	vld [tilespmem:s12+$0x20]  }
0xb2: {  	v58 =	vld [tilespmem:s12+$0xA0]  }
0xb3: {  	v59 =	vld [tilespmem:s12+$0x120]  }
0xb4: {  	v60 =	vld [tilespmem:s12+$0x1A0]  }
0xb5: {  	v61 =	vld [tilespmem:s12+$0x220]  }
0xb6: {  	v62 =	vld [tilespmem:s12+$0x2A0]  }
0xb7: {  	v63 =	vld [tilespmem:s12+$0x320]  }
0xb8: {  	v21 =	vld [tilespmem:s12+$0x3A0]  }
0xb9: {  	v22 =	vld [tilespmem:s12+$0x420]  }
0xba: {  	v23 =	vld [tilespmem:s12+$0x4A0]  }
0xbb: {  	v24 =	vld [tilespmem:s12+$0x520]  }
0xbc: {  	v25 =	vld [tilespmem:s12+$0x5A0]  }
0xbd: {  	v26 =	vld [tilespmem:s12+$0x620]  }
0xbe: {  	v27 =	vld [tilespmem:s12+$0x6A0]  }
0xbf: {  	v28 =	vld [tilespmem:s12+$0x720]  }
0xc0: {  	v29 =	vld [tilespmem:s12+$0x7A0]  }
0xc1: {  	v30 =	vld [tilespmem:s11+$0xD0]  }
0xc2: {  	v31 =	vld [tilespmem:s11+$0x150];
	v1 =	vadd.f32 v58, v1;
	v32 =	vadd.f32 v60, v59  }
0xc3: {  	v33 =	vld [tilespmem:s11+$0x1D0];
	v34 =	vadd.f32 v62, v61;
	v35 =	vadd.f32 v21, v63  }
0xc4: {  	v36 =	vld [tilespmem:s11+$0x250];
	v37 =	vadd.f32 v23, v22;
	v38 =	vadd.f32 v25, v24  }
0xc5: {  	v39 =	vld [tilespmem:s11+$0x2D0];
	v40 =	vadd.f32 v27, v26;
	v41 =	vadd.f32 v29, v28  }
0xc6: {  	v42 =	vld [tilespmem:s11+$0x350];
	v1 =	vadd.f32 v32, v1;
	v43 =	vadd.f32 v35, v34  }
0xc7: {  	v44 =	vld [tilespmem:s11+$0x3D0];
	v45 =	vadd.f32 v38, v37;
	v46 =	vadd.f32 v41, v40  }
0xc8: {  	v47 =	vld [tilespmem:s11+$0x450]  }
0xc9: {  	v48 =	vld [tilespmem:s11+$0x4D0];
	v1 =	vadd.f32 v43, v1;
	v49 =	vadd.f32 v46, v45  }
0xca: {  	v50 =	vld [tilespmem:s11+$0x550]  }
0xcb: {  	v51 =	vld [tilespmem:s11+$0x5D0];
	v1 =	vadd.f32 v49, v1  }
0xcc: {  	v52 =	vld [tilespmem:s11+$0x650]  }
0xcd: {  	v53 =	vld [tilespmem:s11+$0x6D0];
	v1 =	vmul.f32 $6.250000000e-02, v1  }
0xce: {  	v54 =	vld [tilespmem:s11+$0x750]  }
0xcf: {  	v55 =	vld [tilespmem:s11+$0x7D0];
	[tilespmem:s13+$0x4020] =	vst v1  }
0xd0: {  	v1 =	vld [tilespmem:s12+$0x30]  }
0xd1: {  	v56 =	vld [tilespmem:s12+$0xB0]  }
0xd2: {  	v57 =	vld [tilespmem:s12+$0x130]  }
0xd3: {  	v58 =	vld [tilespmem:s12+$0x1B0]  }
0xd4: {  	v59 =	vld [tilespmem:s12+$0x230]  }
0xd5: {  	v60 =	vld [tilespmem:s12+$0x2B0]  }
0xd6: {  	v61 =	vld [tilespmem:s12+$0x330]  }
0xd7: {  	v62 =	vld [tilespmem:s12+$0x3B0]  }
0xd8: {  	v63 =	vld [tilespmem:s12+$0x430]  }
0xd9: {  	v28 =	vld [tilespmem:s12+$0x4B0]  }
0xda: {  	v29 =	vld [tilespmem:s12+$0x530]  }
0xdb: {  	v0 =	vadd.f32 v30, v0;
	v3 =	vadd.f32 v33, v31;
	v30 =	vld [tilespmem:s12+$0x5B0]  }
0xdc: {  	v6 =	vadd.f32 v39, v36;
	v4 =	vadd.f32 v44, v42;
	v31 =	vld [tilespmem:s12+$0x630]  }
0xdd: {  	v8 =	vadd.f32 v48, v47;
	v5 =	vadd.f32 v51, v50;
	v32 =	vld [tilespmem:s12+$0x6B0]  }
0xde: {  	v2 =	vadd.f32 v53, v52;
	v33 =	vadd.f32 v55, v54;
	v34 =	vld [tilespmem:s12+$0x730]  }
0xdf: {  	v0 =	vadd.f32 v3, v0;
	v5 =	vadd.f32 v5, v8;
	v36 =	vld [tilespmem:s12+$0x7B0]  }
0xe0: {  	v2 =	vadd.f32 v33, v2;
	v35 =	vadd.f32 v4, v6  }
0xe1: {  	v1 =	vadd.f32 v56, v1;
	v37 =	vadd.f32 v58, v57  }
0xe2: {  	v38 =	vadd.f32 v60, v59;
	v39 =	vadd.f32 v62, v61  }
0xe3: {  	v40 =	vadd.f32 v28, v63;
	v41 =	vadd.f32 v30, v29  }
0xe4: {  	v7 =	vadd.f32 v32, v31;
	v4 =	vadd.f32 v36, v34  }
0xe5: {  	v1 =	vadd.f32 v37, v1;
	v42 =	vadd.f32 v39, v38  }
0xe6: {  	v43 =	vadd.f32 v41, v40;
	v4 =	vadd.f32 v4, v7  }
0xe7: {  	v2 =	vadd.f32 v2, v5;
	v0 =	vadd.f32 v35, v0  }
0xe8: {  	v1 =	vadd.f32 v42, v1;
	v44 =	vadd.f32 v4, v43  }
0xe9: {  	v0 =	vadd.f32 v2, v0  }
0xea: {  	v1 =	vadd.f32 v44, v1  }
0xeb: {  	v0 =	vmul.f32 $6.250000000e-02, v0  }
0xec: {  	v1 =	vmul.f32 $6.250000000e-02, v1  }
0xed: {  	[tilespmem:s10+$0x4050] =	vst v0  }
0xee: {  	v0 =	vld [tilespmem:s11+$0x60];
	[tilespmem:s13+$0x4030] =	vst v1  }
0xef: {  	v1 =	vld [tilespmem:s12+$0x40]  }
0xf0: {  	v45 =	vld [tilespmem:s12+$0xC0]  }
0xf1: {  	v46 =	vld [tilespmem:s12+$0x140]  }
0xf2: {  	v47 =	vld [tilespmem:s12+$0x1C0]  }
0xf3: {  	v48 =	vld [tilespmem:s12+$0x240]  }
0xf4: {  	v49 =	vld [tilespmem:s12+$0x2C0]  }
0xf5: {  	v50 =	vld [tilespmem:s12+$0x340]  }
0xf6: {  	v51 =	vld [tilespmem:s12+$0x3C0]  }
0xf7: {  	v52 =	vld [tilespmem:s12+$0x440]  }
0xf8: {  	v53 =	vld [tilespmem:s12+$0x4C0]  }
0xf9: {  	v54 =	vld [tilespmem:s12+$0x540]  }
0xfa: {  	v55 =	vld [tilespmem:s12+$0x5C0]  }
0xfb: {  	v56 =	vld [tilespmem:s12+$0x640]  }
0xfc: {  	v57 =	vld [tilespmem:s12+$0x6C0]  }
0xfd: {  	v58 =	vld [tilespmem:s12+$0x740]  }
0xfe: {  	v59 =	vld [tilespmem:s12+$0x7C0]  }
0xff: {  	v60 =	vld [tilespmem:s11+$0xE0]  }
0x100: {  	v61 =	vld [tilespmem:s11+$0x160];
	v1 =	vadd.f32 v45, v1;
	v62 =	vadd.f32 v47, v46  }
0x101: {  	v63 =	vld [tilespmem:s11+$0x1E0];
	v26 =	vadd.f32 v49, v48;
	v27 =	vadd.f32 v51, v50  }
0x102: {  	v28 =	vld [tilespmem:s11+$0x260];
	v29 =	vadd.f32 v53, v52;
	v30 =	vadd.f32 v55, v54  }
0x103: {  	v31 =	vld [tilespmem:s11+$0x2E0];
	v32 =	vadd.f32 v57, v56;
	v33 =	vadd.f32 v59, v58  }
0x104: {  	v34 =	vld [tilespmem:s11+$0x360];
	v1 =	vadd.f32 v62, v1;
	v35 =	vadd.f32 v27, v26  }
0x105: {  	v36 =	vld [tilespmem:s11+$0x3E0];
	v37 =	vadd.f32 v30, v29;
	v38 =	vadd.f32 v33, v32  }
0x106: {  	v39 =	vld [tilespmem:s11+$0x460]  }
0x107: {  	v40 =	vld [tilespmem:s11+$0x4E0];
	v1 =	vadd.f32 v35, v1;
	v41 =	vadd.f32 v38, v37  }
0x108: {  	v42 =	vld [tilespmem:s11+$0x560]  }
0x109: {  	v43 =	vld [tilespmem:s11+$0x5E0];
	v1 =	vadd.f32 v41, v1  }
0x10a: {  	v44 =	vld [tilespmem:s11+$0x660]  }
0x10b: {  	v45 =	vld [tilespmem:s11+$0x6E0];
	v1 =	vmul.f32 $6.250000000e-02, v1  }
0x10c: {  	v46 =	vld [tilespmem:s11+$0x760]  }
0x10d: {  	v47 =	vld [tilespmem:s11+$0x7E0];
	[tilespmem:s13+$0x4040] =	vst v1  }
0x10e: {  	v1 =	vld [tilespmem:s12+$0x50]  }
0x10f: {  	v48 =	vld [tilespmem:s12+$0xD0]  }
0x110: {  	v49 =	vld [tilespmem:s12+$0x150]  }
0x111: {  	v50 =	vld [tilespmem:s12+$0x1D0]  }
0x112: {  	v51 =	vld [tilespmem:s12+$0x250]  }
0x113: {  	v52 =	vld [tilespmem:s12+$0x2D0]  }
0x114: {  	v53 =	vld [tilespmem:s12+$0x350]  }
0x115: {  	v54 =	vld [tilespmem:s12+$0x3D0]  }
0x116: {  	v55 =	vld [tilespmem:s12+$0x450]  }
0x117: {  	v56 =	vld [tilespmem:s12+$0x4D0]  }
0x118: {  	v57 =	vld [tilespmem:s12+$0x550]  }
0x119: {  	v0 =	vadd.f32 v60, v0;
	v3 =	vadd.f32 v63, v61;
	v58 =	vld [tilespmem:s12+$0x5D0]  }
0x11a: {  	v6 =	vadd.f32 v31, v28;
	v4 =	vadd.f32 v36, v34;
	v59 =	vld [tilespmem:s12+$0x650]  }
0x11b: {  	v8 =	vadd.f32 v40, v39;
	v5 =	vadd.f32 v43, v42;
	v60 =	vld [tilespmem:s12+$0x6D0]  }
0x11c: {  	v2 =	vadd.f32 v45, v44;
	v61 =	vadd.f32 v47, v46;
	v62 =	vld [tilespmem:s12+$0x750]  }
0x11d: {  	v0 =	vadd.f32 v3, v0;
	v63 =	vadd.f32 v4, v6;
	v18 =	vld [tilespmem:s12+$0x7D0]  }
0x11e: {  	v5 =	vadd.f32 v5, v8;
	v2 =	vadd.f32 v61, v2  }
0x11f: {  	v1 =	vadd.f32 v48, v1;
	v19 =	vadd.f32 v50, v49  }
0x120: {  	v27 =	vadd.f32 v52, v51;
	v28 =	vadd.f32 v54, v53  }
0x121: {  	v29 =	vadd.f32 v56, v55;
	v30 =	vadd.f32 v58, v57  }
0x122: {  	v7 =	vadd.f32 v60, v59;
	v4 =	vadd.f32 v18, v62  }
0x123: {  	v1 =	vadd.f32 v19, v1;
	v31 =	vadd.f32 v28, v27  }
0x124: {  	v32 =	vadd.f32 v30, v29;
	v4 =	vadd.f32 v4, v7  }
0x125: {  	v0 =	vadd.f32 v63, v0;
	v2 =	vadd.f32 v2, v5  }
0x126: {  	v1 =	vadd.f32 v31, v1;
	v33 =	vadd.f32 v4, v32  }
0x127: {  	v0 =	vadd.f32 v2, v0  }
0x128: {  	v1 =	vadd.f32 v33, v1  }
0x129: {  	v0 =	vmul.f32 $6.250000000e-02, v0  }
0x12a: {  	v1 =	vmul.f32 $6.250000000e-02, v1  }
0x12b: {  	[tilespmem:s10+$0x4060] =	vst v0  }
0x12c: {  	v0 =	vld [tilespmem:s11+$0x70];
	[tilespmem:s13+$0x4050] =	vst v1  }
0x12d: {  	v1 =	vld [tilespmem:s12+$0x60]  }
0x12e: {  	v34 =	vld [tilespmem:s12+$0xE0]  }
0x12f: {  	v35 =	vld [tilespmem:s12+$0x160]  }
0x130: {  	v36 =	vld [tilespmem:s12+$0x1E0]  }
0x131: {  	v37 =	vld [tilespmem:s12+$0x260]  }
0x132: {  	v38 =	vld [tilespmem:s12+$0x2E0]  }
0x133: {  	v39 =	vld [tilespmem:s12+$0x360]  }
0x134: {  	v40 =	vld [tilespmem:s12+$0x3E0]  }
0x135: {  	v41 =	vld [tilespmem:s12+$0x460]  }
0x136: {  	v42 =	vld [tilespmem:s12+$0x4E0]  }
0x137: {  	v43 =	vld [tilespmem:s12+$0x560]  }
0x138: {  	v44 =	vld [tilespmem:s12+$0x5E0]  }
0x139: {  	v45 =	vld [tilespmem:s12+$0x660]  }
0x13a: {  	v46 =	vld [tilespmem:s12+$0x6E0]  }
0x13b: {  	v47 =	vld [tilespmem:s12+$0x760]  }
0x13c: {  	v48 =	vld [tilespmem:s12+$0x7E0]  }
0x13d: {  	v49 =	vld [tilespmem:s11+$0xF0]  }
0x13e: {  	v50 =	vld [tilespmem:s11+$0x170];
	v1 =	vadd.f32 v34, v1;
	v51 =	vadd.f32 v36, v35  }
0x13f: {  	v52 =	vld [tilespmem:s11+$0x1F0];
	v53 =	vadd.f32 v38, v37;
	v54 =	vadd.f32 v40, v39  }
0x140: {  	v55 =	vld [tilespmem:s11+$0x270];
	v56 =	vadd.f32 v42, v41;
	v57 =	vadd.f32 v44, v43  }
0x141: {  	v58 =	vld [tilespmem:s11+$0x2F0];
	v59 =	vadd.f32 v46, v45;
	v60 =	vadd.f32 v48, v47  }
0x142: {  	v61 =	vld [tilespmem:s11+$0x370];
	v1 =	vadd.f32 v51, v1;
	v62 =	vadd.f32 v54, v53  }
0x143: {  	v63 =	vld [tilespmem:s11+$0x3F0];
	v26 =	vadd.f32 v57, v56;
	v27 =	vadd.f32 v60, v59  }
0x144: {  	v28 =	vld [tilespmem:s11+$0x470]  }
0x145: {  	v29 =	vld [tilespmem:s11+$0x4F0];
	v1 =	vadd.f32 v62, v1;
	v30 =	vadd.f32 v27, v26  }
0x146: {  	v31 =	vld [tilespmem:s11+$0x570]  }
0x147: {  	v32 =	vld [tilespmem:s11+$0x5F0];
	v1 =	vadd.f32 v30, v1  }
0x148: {  	v33 =	vld [tilespmem:s11+$0x670]  }
0x149: {  	v34 =	vld [tilespmem:s11+$0x6F0];
	v1 =	vmul.f32 $6.250000000e-02, v1  }
0x14a: {  	v35 =	vld [tilespmem:s11+$0x770]  }
0x14b: {  	v36 =	vld [tilespmem:s11+$0x7F0];
	[tilespmem:s13+$0x4060] =	vst v1  }
0x14c: {  	v1 =	vld [tilespmem:s12+$0x70]  }
0x14d: {  	v37 =	vld [tilespmem:s12+$0xF0]  }
0x14e: {  	v38 =	vld [tilespmem:s12+$0x170]  }
0x14f: {  	v39 =	vld [tilespmem:s12+$0x1F0]  }
0x150: {  	v40 =	vld [tilespmem:s12+$0x270]  }
0x151: {  	v41 =	vld [tilespmem:s12+$0x2F0]  }
0x152: {  	v42 =	vld [tilespmem:s12+$0x370]  }
0x153: {  	v43 =	vld [tilespmem:s12+$0x3F0]  }
0x154: {  	v44 =	vld [tilespmem:s12+$0x470]  }
0x155: {  	v45 =	vld [tilespmem:s12+$0x4F0]  }
0x156: {  	v46 =	vld [tilespmem:s12+$0x570]  }
0x157: {  	v0 =	vadd.f32 v49, v0;
	v3 =	vadd.f32 v52, v50;
	v47 =	vld [tilespmem:s12+$0x5F0]  }
0x158: {  	v6 =	vadd.f32 v58, v55;
	v4 =	vadd.f32 v63, v61;
	v48 =	vld [tilespmem:s12+$0x670]  }
0x159: {  	v8 =	vadd.f32 v29, v28;
	v5 =	vadd.f32 v32, v31;
	v49 =	vld [tilespmem:s12+$0x6F0]  }
0x15a: {  	v2 =	vadd.f32 v34, v33;
	v50 =	vadd.f32 v36, v35;
	v51 =	vld [tilespmem:s12+$0x770]  }
0x15b: {  	v0 =	vadd.f32 v3, v0;
	v53 =	vadd.f32 v4, v6;
	v52 =	vld [tilespmem:s12+$0x7F0]  }
0x15c: {  	v54 =	vadd.f32 v5, v8;
	v2 =	vadd.f32 v50, v2  }
0x15d: {  	v1 =	vadd.f32 v37, v1;
	v55 =	vadd.f32 v39, v38  }
0x15e: {  	v56 =	vadd.f32 v41, v40;
	v57 =	vadd.f32 v43, v42  }
0x15f: {  	v58 =	vadd.f32 v45, v44;
	v59 =	vadd.f32 v47, v46  }
0x160: {  	v7 =	vadd.f32 v49, v48;
	v60 =	vadd.f32 v52, v51  }
0x161: {  	v1 =	vadd.f32 v55, v1;
	v61 =	vadd.f32 v57, v56  }
0x162: {  	v62 =	vadd.f32 v59, v58;
	v7 =	vadd.f32 v60, v7  }
0x163: {  	v0 =	vadd.f32 v53, v0;
	v2 =	vadd.f32 v2, v54  }
0x164: {  	v1 =	vadd.f32 v61, v1;
	v63 =	vadd.f32 v7, v62  }
0x165: {  	p0 =	slt.u32 s9, $0x6;
	v0 =	vadd.f32 v2, v0  }
.Ltmp0:
0x166: {  	v1 =	vadd.f32 v63, v1;
	(pc) =	sbr.rel @p0 .LBB2_2-.Ltmp0, $4  }
0x167: {  	v0 =	vmul.f32 $6.250000000e-02, v0  }
0x168: {  	v1 =	vmul.f32 $6.250000000e-02, v1  }
0x169: {  	s31 =	sadd.s32 $0x2, s9;
	[tilespmem:s10+$0x4070] =	vst v0  }
0x16a: {  	s9 =	smov.u32 s31;
	[tilespmem:s13+$0x4070] =	vst v1  }
0x16b: {  	s8 =	sadd.s32 $0x1, s8  }
0x16c: {  	p0 =	sne.s32 s8, s5  }
.Ltmp1:
0x16d: {  	_ = 	snop;
	(pc) =	sbr.rel @p0 .LBB2_1-.Ltmp1, $4  }
0x16e: {  	[hbm4b:s4+s2] =	stream.linear.scatter [tilespmem:s7], [sflag:$0x1], $0x400, $0x38;
	[tilespmem:$0x4400] =	vst v63  }
0x16f: {  	_ =	swait.ge [sflag:s6], $0x400  }
0x170: {  	[sflag:s6] =	ssyncset.done $0x0  }
0x171: {  	[sflag:s6] =	ssyncadd.s32 $0xFFFFFC00  }
0x172: {  	_ =	sfence.sel $0x180000  }
0x173: {  	[bflag:$0x0] =	sbarrier.arrive $0xFFFF  }
0x174: {  	p0 =	sne.s32 s1, $0x0;
	_ =	strace $0x90000047  }
0x175: {  	s0 =	sadd.s32 @!p0 $0x100000, s0;
	[bflag:$0x2] =	sbarrier.arrive $0xFFFF  }
0x176: {  	[sflag:s0] =	ssyncadd.tile.s32 @!p0 $0x1;
	_ =	shalt  }
.Lfunc_end2:
_tile_overlayer_lowered:
.L_overlay_start_2:
0x177: {  	(tag) =	ssettag $0x2  }
0x178: {  	s0 =	rddreg [dreg:$0x0];
	s2 =	stileid.u32  }
0x179: {  	s1 =	rddreg [dreg:$0x1];
	p0 =	sne.s32 s2, $0x0  }
0x17a: {  	s3 =	rddreg [dreg:$0x2];
	[bflag:$0x3] =	sbarrier.arrive $0xFFFF;
	s2 =	simm.s32 @!p0 $0x1C01  }
0x17b: {  	[timem:s3], [sflag:s2] =	dma.local @!p0 [hbm:s0], s1  }
0x17c: {  	s0 =	simm.s32 @!p0 $0x1  }
0x17d: {  	_ =	swait.ge @!p0 [sflag:s0], s1  }
0x17e: {  	s1 =	ssub.s32 @!p0 $0x0, s1;
	[sflag:s0] =	ssyncset.done @!p0 $0x0  }
0x17f: {  	[sflag:s0] =	ssyncadd.s32 @!p0 s1  }
0x180: {  	[bflag:$0x3] =	sbarrier.arrive $0xFFFF  }
0x181: {  	_ =	shalt  }

</sc_bundles>
